<compile_context>
chip_gen: v7x
topology: tpu7x:2x2x1
jax: 0.10.2.dev20260603
libtpu: 0.0.44.dev20260713+nightly
codegen_flags: <defaults>
</compile_context>

<pallas_src>
import functools

import jax
import jax.numpy as jnp
from jax import lax
from jax.experimental import pallas as pl
from jax.experimental.pallas import tpu as pltpu
from jax.experimental.pallas import tpu_sc as plsc

_NC, _NS = 2, 16
_NW = _NC * _NS

_U_ROWS, _I_ROWS, _DIM = 100000, 1000000, 32
_U_CHUNK = 200
_I_CHUNK = 320
_NBUF = 3


def _phase(src, dst, n_rows, chunk, wid, bufs, sin, sout):
    n_chunks = n_rows // chunk
    j_max = -(-n_chunks // _NW)
    n_groups = -(-j_max // _NBUF)

    def pred(j):
        return (j * _NW + wid) < n_chunks

    def base(j):
        return pl.multiple_of((j * _NW + wid) * chunk, 8)

    def in_copy(j, b):
        return pltpu.make_async_copy(
            src.at[pl.ds(base(j), chunk)], bufs[b].at[pl.ds(0, chunk)], sin[b])

    def out_copy(j, b):
        return pltpu.make_async_copy(
            bufs[b].at[pl.ds(0, chunk)], dst.at[pl.ds(base(j), chunk)], sout[b])

    def group(g, carry):
        for b in range(_NBUF):
            j = g * _NBUF + b
            pl.when(pred(j))(in_copy(j, b).start)
        for b in range(_NBUF):
            j = g * _NBUF + b

            @pl.when(pred(j))
            def _():
                in_copy(j, b).wait()
                out_copy(j, b).start()
        for b in range(_NBUF):
            j = g * _NBUF + b
            pl.when(pred(j))(out_copy(j, b).wait)
        return carry

    lax.fori_loop(0, n_groups, group, 0)


def _sc_copy_body(u_in, i_in, u_out, i_out, *scratch):
    wid = lax.axis_index("s") * _NC + lax.axis_index("c")
    bufs = scratch[:_NBUF]
    sin = scratch[_NBUF:2 * _NBUF]
    sout = scratch[2 * _NBUF:]
    _phase(i_in, i_out, _I_ROWS, _I_CHUNK, wid, bufs, sin, sout)
    _phase(u_in, u_out, _U_ROWS, _U_CHUNK, wid, bufs, sin, sout)


@functools.partial(
    pl.kernel,
    out_type=(
        jax.ShapeDtypeStruct((_U_ROWS, _DIM), jnp.float32),
        jax.ShapeDtypeStruct((_I_ROWS, _DIM), jnp.float32),
    ),
    mesh=plsc.VectorSubcoreMesh(core_axis_name="c", subcore_axis_name="s"),
    scratch_types=(
        [pltpu.VMEM((_I_CHUNK, _DIM), jnp.float32)] * _NBUF
        + [pltpu.SemaphoreType.DMA] * (2 * _NBUF)
    ),
)
def _sc_copy(u_in, i_in, u_out, i_out, *scratch):
    _sc_copy_body(u_in, i_in, u_out, i_out, *scratch)


def kernel(user_weight, item_weight, edge_index):
    return _sc_copy(user_weight, item_weight)

# --- scband reference (transcript-rebuilt; emitter-appended) ---
"""Pipeline reference for scband-direct-au-15994458210394 (READ-ONLY COPY).

The authoritative reference and input builder live on the scoring server;
editing this copy changes nothing except your own understanding.
"""

import jax, jax.numpy as jnp
import numpy as np

N_USERS = 100000
N_ITEMS = 1000000
EMBED_DIM = 32

def _xavier_uniform(key, shape):
    fan_in, fan_out = shape[0], shape[1]
    bound = float(np.sqrt(6.0 / (fan_in + fan_out)))
    return jax.random.uniform(key, shape, dtype=jnp.float32, minval=-bound, maxval=bound)

def setup_inputs(seed: int = 0) -> dict:
    key = jax.random.key(seed)
    k1, k2, k3 = jax.random.split(key, 3)
    user_weight = _xavier_uniform(k1, (N_USERS, EMBED_DIM))
    item_weight = _xavier_uniform(k2, (N_ITEMS, EMBED_DIM))
    edge_index = jax.random.randint(k3, (2, 4096), 0, N_USERS, dtype=jnp.int64)
    return {"user_weight": user_weight, "item_weight": item_weight, "edge_index": edge_index}

def reference(user_weight, item_weight, edge_index=None):
    # DirectAU.forward simply returns the full user and item embedding tables.
    # edge_index is accepted but unused, matching the torch module.
    return (user_weight, item_weight)

if __name__ == "__main__":
    import jax
    _d = setup_inputs()
    print(jax.jit(kernel)(*tuple(_d.values())))

</pallas_src>

<mosaic_0001>
#map = affine_map<(d0, d1) -> (0, 0)>
module attributes {stable_mosaic.version = 14 : i64} {
  func.func @_sc_copy(%arg0: i32, %arg1: i32, %arg2: memref<100000x32xf32, #tpu.memory_space<hbm>>, %arg3: memref<1000000x32xf32, #tpu.memory_space<hbm>>, %arg4: memref<100000x32xf32, #tpu.memory_space<hbm>>, %arg5: memref<1000000x32xf32, #tpu.memory_space<hbm>>, %arg6: memref<320x32xf32, #tpu.memory_space<vmem>>, %arg7: memref<320x32xf32, #tpu.memory_space<vmem>>, %arg8: memref<320x32xf32, #tpu.memory_space<vmem>>, %arg9: memref<!tpu.dma_semaphore, #tpu.memory_space<semaphore_mem>>, %arg10: memref<!tpu.dma_semaphore, #tpu.memory_space<semaphore_mem>>, %arg11: memref<!tpu.dma_semaphore, #tpu.memory_space<semaphore_mem>>, %arg12: memref<!tpu.dma_semaphore, #tpu.memory_space<semaphore_mem>>, %arg13: memref<!tpu.dma_semaphore, #tpu.memory_space<semaphore_mem>>, %arg14: memref<!tpu.dma_semaphore, #tpu.memory_space<semaphore_mem>>) attributes {dimension_semantics = [#tpu.dimension_semantics<core_parallel>, #tpu.dimension_semantics<subcore_parallel>], iteration_bounds = array<i64: 2, 16>, scalar_prefetch = 0 : i64, scratch_operands = 9 : i64, tpu.core_type = #tpu.core_type<sc_vector_subcore>, window_params = [{transform_indices = #map}, {transform_indices = #map}, {transform_indices = #map}, {transform_indices = #map}]} {
    %mul3A = arith.constant 2 : i32
    %mul3A_0 = arith.muli %arg1, %mul3A : i32
    %add3A = arith.addi %mul3A_0, %arg0 : i32
    %scan3A = arith.constant 0 : i32
    %scan3A_1 = arith.constant 0 : i32
    %scan3A_2 = arith.constant 33 : i32
    %scan3A_3 = arith.addi %scan3A_1, %scan3A_2 : i32
    %scan3A_4 = arith.constant 1 : i32
    scf.for %scan3A_12 = %scan3A_1 to %scan3A_3 step %scan3A_4  : i32 {
      %mul3A_13 = arith.constant 3 : i32
      %mul3A_14 = arith.muli %scan3A_12, %mul3A_13 : i32
      %add3A_15 = arith.constant 0 : i32
      %add3A_16 = arith.addi %mul3A_14, %add3A_15 : i32
      %mul3A_17 = arith.constant 32 : i32
      %mul3A_18 = arith.muli %add3A_16, %mul3A_17 : i32
      %add3A_19 = arith.addi %mul3A_18, %add3A : i32
      %lt3A = arith.constant 3125 : i32
      %lt3A_20 = arith.cmpi slt, %add3A_19, %lt3A : i32
      %mul3A_21 = arith.constant 32 : i32
      %mul3A_22 = arith.muli %add3A_16, %mul3A_21 : i32
      %add3A_23 = arith.addi %mul3A_22, %add3A : i32
      %mul3A_24 = arith.constant 320 : i32
      %mul3A_25 = arith.muli %add3A_23, %mul3A_24 : i32
      %multiple_of3A = tpu.assume_multiple %mul3A_25, 8 : i32
      %convert_element_type3A = arith.extui %lt3A_20 : i1 to i32
      %cond3A = arith.constant 0 : i32
      %cond3A_26 = arith.cmpi ne, %convert_element_type3A, %cond3A : i32
      scf.if %cond3A_26 {
        %dma_start3A = arith.constant 0 : i32
        %dma_start3A_153 = arith.constant 0 : i32
        %dma_start3A_154 = tpu.memref_slice %arg6[%dma_start3A, %dma_start3A_153] : memref<320x32xf32, #tpu.memory_space<vmem>> -> memref<320x32xf32, #tpu.memory_space<vmem>>
        %dma_start3A_155 = arith.constant 0 : i32
        %dma_start3A_156 = tpu.memref_slice %arg3[%multiple_of3A, %dma_start3A_155] : memref<1000000x32xf32, #tpu.memory_space<hbm>> -> memref<320x32xf32, #tpu.memory_space<hbm>>
        %dma_start3A_157 = arith.constant 0 : i32
        %dma_start3A_158 = arith.constant 0 : i32
        %dma_start3A_159 = tpu.memref_slice %arg6[%dma_start3A_157, %dma_start3A_158] : memref<320x32xf32, #tpu.memory_space<vmem>> -> memref<320x32xf32, #tpu.memory_space<vmem>>
        %dma_start3A_160 = arith.constant 0 : i32
        %dma_start3A_161 = tpu.memref_slice %arg3[%multiple_of3A, %dma_start3A_160] : memref<1000000x32xf32, #tpu.memory_space<hbm>> -> memref<320x32xf32, #tpu.memory_space<hbm>>
        tpu.enqueue_dma source(%dma_start3A_161 : memref<320x32xf32, #tpu.memory_space<hbm>>) target(%dma_start3A_159 : memref<320x32xf32, #tpu.memory_space<vmem>>) target_semaphore(%arg9 : memref<!tpu.dma_semaphore, #tpu.memory_space<semaphore_mem>>)
      } else {
      }
      %mul3A_27 = arith.constant 3 : i32
      %mul3A_28 = arith.muli %scan3A_12, %mul3A_27 : i32
      %add3A_29 = arith.constant 1 : i32
      %add3A_30 = arith.addi %mul3A_28, %add3A_29 : i32
      %mul3A_31 = arith.constant 32 : i32
      %mul3A_32 = arith.muli %add3A_30, %mul3A_31 : i32
      %add3A_33 = arith.addi %mul3A_32, %add3A : i32
      %lt3A_34 = arith.constant 3125 : i32
      %lt3A_35 = arith.cmpi slt, %add3A_33, %lt3A_34 : i32
      %mul3A_36 = arith.constant 32 : i32
      %mul3A_37 = arith.muli %add3A_30, %mul3A_36 : i32
      %add3A_38 = arith.addi %mul3A_37, %add3A : i32
      %mul3A_39 = arith.constant 320 : i32
      %mul3A_40 = arith.muli %add3A_38, %mul3A_39 : i32
      %multiple_of3A_41 = tpu.assume_multiple %mul3A_40, 8 : i32
      %convert_element_type3A_42 = arith.extui %lt3A_35 : i1 to i32
      %cond3A_43 = arith.constant 0 : i32
      %cond3A_44 = arith.cmpi ne, %convert_element_type3A_42, %cond3A_43 : i32
      scf.if %cond3A_44 {
        %dma_start3A = arith.constant 0 : i32
        %dma_start3A_153 = arith.constant 0 : i32
        %dma_start3A_154 = tpu.memref_slice %arg7[%dma_start3A, %dma_start3A_153] : memref<320x32xf32, #tpu.memory_space<vmem>> -> memref<320x32xf32, #tpu.memory_space<vmem>>
        %dma_start3A_155 = arith.constant 0 : i32
        %dma_start3A_156 = tpu.memref_slice %arg3[%multiple_of3A_41, %dma_start3A_155] : memref<1000000x32xf32, #tpu.memory_space<hbm>> -> memref<320x32xf32, #tpu.memory_space<hbm>>
        %dma_start3A_157 = arith.constant 0 : i32
        %dma_start3A_158 = arith.constant 0 : i32
        %dma_start3A_159 = tpu.memref_slice %arg7[%dma_start3A_157, %dma_start3A_158] : memref<320x32xf32, #tpu.memory_space<vmem>> -> memref<320x32xf32, #tpu.memory_space<vmem>>
        %dma_start3A_160 = arith.constant 0 : i32
        %dma_start3A_161 = tpu.memref_slice %arg3[%multiple_of3A_41, %dma_start3A_160] : memref<1000000x32xf32, #tpu.memory_space<hbm>> -> memref<320x32xf32, #tpu.memory_space<hbm>>
        tpu.enqueue_dma source(%dma_start3A_161 : memref<320x32xf32, #tpu.memory_space<hbm>>) target(%dma_start3A_159 : memref<320x32xf32, #tpu.memory_space<vmem>>) target_semaphore(%arg10 : memref<!tpu.dma_semaphore, #tpu.memory_space<semaphore_mem>>)
      } else {
      }
      %mul3A_45 = arith.constant 3 : i32
      %mul3A_46 = arith.muli %scan3A_12, %mul3A_45 : i32
      %add3A_47 = arith.constant 2 : i32
      %add3A_48 = arith.addi %mul3A_46, %add3A_47 : i32
      %mul3A_49 = arith.constant 32 : i32
      %mul3A_50 = arith.muli %add3A_48, %mul3A_49 : i32
      %add3A_51 = arith.addi %mul3A_50, %add3A : i32
      %lt3A_52 = arith.constant 3125 : i32
      %lt3A_53 = arith.cmpi slt, %add3A_51, %lt3A_52 : i32
      %mul3A_54 = arith.constant 32 : i32
      %mul3A_55 = arith.muli %add3A_48, %mul3A_54 : i32
      %add3A_56 = arith.addi %mul3A_55, %add3A : i32
      %mul3A_57 = arith.constant 320 : i32
      %mul3A_58 = arith.muli %add3A_56, %mul3A_57 : i32
      %multiple_of3A_59 = tpu.assume_multiple %mul3A_58, 8 : i32
      %convert_element_type3A_60 = arith.extui %lt3A_53 : i1 to i32
      %cond3A_61 = arith.constant 0 : i32
      %cond3A_62 = arith.cmpi ne, %convert_element_type3A_60, %cond3A_61 : i32
      scf.if %cond3A_62 {
        %dma_start3A = arith.constant 0 : i32
        %dma_start3A_153 = arith.constant 0 : i32
        %dma_start3A_154 = tpu.memref_slice %arg8[%dma_start3A, %dma_start3A_153] : memref<320x32xf32, #tpu.memory_space<vmem>> -> memref<320x32xf32, #tpu.memory_space<vmem>>
        %dma_start3A_155 = arith.constant 0 : i32
        %dma_start3A_156 = tpu.memref_slice %arg3[%multiple_of3A_59, %dma_start3A_155] : memref<1000000x32xf32, #tpu.memory_space<hbm>> -> memref<320x32xf32, #tpu.memory_space<hbm>>
        %dma_start3A_157 = arith.constant 0 : i32
        %dma_start3A_158 = arith.constant 0 : i32
        %dma_start3A_159 = tpu.memref_slice %arg8[%dma_start3A_157, %dma_start3A_158] : memref<320x32xf32, #tpu.memory_space<vmem>> -> memref<320x32xf32, #tpu.memory_space<vmem>>
        %dma_start3A_160 = arith.constant 0 : i32
        %dma_start3A_161 = tpu.memref_slice %arg3[%multiple_of3A_59, %dma_start3A_160] : memref<1000000x32xf32, #tpu.memory_space<hbm>> -> memref<320x32xf32, #tpu.memory_space<hbm>>
        tpu.enqueue_dma source(%dma_start3A_161 : memref<320x32xf32, #tpu.memory_space<hbm>>) target(%dma_start3A_159 : memref<320x32xf32, #tpu.memory_space<vmem>>) target_semaphore(%arg11 : memref<!tpu.dma_semaphore, #tpu.memory_space<semaphore_mem>>)
      } else {
      }
      %mul3A_63 = arith.constant 3 : i32
      %mul3A_64 = arith.muli %scan3A_12, %mul3A_63 : i32
      %add3A_65 = arith.constant 0 : i32
      %add3A_66 = arith.addi %mul3A_64, %add3A_65 : i32
      %mul3A_67 = arith.constant 32 : i32
      %mul3A_68 = arith.muli %add3A_66, %mul3A_67 : i32
      %add3A_69 = arith.addi %mul3A_68, %add3A : i32
      %lt3A_70 = arith.constant 3125 : i32
      %lt3A_71 = arith.cmpi slt, %add3A_69, %lt3A_70 : i32
      %convert_element_type3A_72 = arith.extui %lt3A_71 : i1 to i32
      %cond3A_73 = arith.constant 0 : i32
      %cond3A_74 = arith.cmpi ne, %convert_element_type3A_72, %cond3A_73 : i32
      scf.if %cond3A_74 {
        %mul3A_153 = arith.constant 32 : i32
        %mul3A_154 = arith.muli %add3A_66, %mul3A_153 : i32
        %add3A_155 = arith.addi %mul3A_154, %add3A : i32
        %mul3A_156 = arith.constant 320 : i32
        %mul3A_157 = arith.muli %add3A_155, %mul3A_156 : i32
        %multiple_of3A_158 = tpu.assume_multiple %mul3A_157, 8 : i32
        %dma_wait3A = arith.constant 0 : i32
        %dma_wait3A_159 = arith.constant 0 : i32
        %dma_wait3A_160 = tpu.memref_slice %arg6[%dma_wait3A, %dma_wait3A_159] : memref<320x32xf32, #tpu.memory_space<vmem>> -> memref<320x32xf32, #tpu.memory_space<vmem>>
        %dma_wait3A_161 = arith.constant 0 : i32
        %dma_wait3A_162 = tpu.memref_slice %arg3[%multiple_of3A_158, %dma_wait3A_161] : memref<1000000x32xf32, #tpu.memory_space<hbm>> -> memref<320x32xf32, #tpu.memory_space<hbm>>
        %dma_wait3A_163 = arith.constant 0 : i32
        %dma_wait3A_164 = arith.constant 0 : i32
        %dma_wait3A_165 = tpu.memref_slice %arg6[%dma_wait3A_163, %dma_wait3A_164] : memref<320x32xf32, #tpu.memory_space<vmem>> -> memref<320x32xf32, #tpu.memory_space<vmem>>
        %dma_wait3A_166 = arith.constant 0 : i32
        %dma_wait3A_167 = tpu.memref_slice %arg3[%multiple_of3A_158, %dma_wait3A_166] : memref<1000000x32xf32, #tpu.memory_space<hbm>> -> memref<320x32xf32, #tpu.memory_space<hbm>>
        tpu.wait_dma2 semaphore(%arg9 : memref<!tpu.dma_semaphore, #tpu.memory_space<semaphore_mem>>) src(%dma_wait3A_167 : memref<320x32xf32, #tpu.memory_space<hbm>>) dst(%dma_wait3A_165 : memref<320x32xf32, #tpu.memory_space<vmem>>)
        %mul3A_168 = arith.constant 32 : i32
        %mul3A_169 = arith.muli %add3A_66, %mul3A_168 : i32
        %add3A_170 = arith.addi %mul3A_169, %add3A : i32
        %mul3A_171 = arith.constant 320 : i32
        %mul3A_172 = arith.muli %add3A_170, %mul3A_171 : i32
        %multiple_of3A_173 = tpu.assume_multiple %mul3A_172, 8 : i32
        %dma_start3A = arith.constant 0 : i32
        %dma_start3A_174 = arith.constant 0 : i32
        %dma_start3A_175 = tpu.memref_slice %arg6[%dma_start3A, %dma_start3A_174] : memref<320x32xf32, #tpu.memory_space<vmem>> -> memref<320x32xf32, #tpu.memory_space<vmem>>
        %dma_start3A_176 = arith.constant 0 : i32
        %dma_start3A_177 = tpu.memref_slice %arg5[%multiple_of3A_173, %dma_start3A_176] : memref<1000000x32xf32, #tpu.memory_space<hbm>> -> memref<320x32xf32, #tpu.memory_space<hbm>>
        %dma_start3A_178 = arith.constant 0 : i32
        %dma_start3A_179 = tpu.memref_slice %arg5[%multiple_of3A_173, %dma_start3A_178] : memref<1000000x32xf32, #tpu.memory_space<hbm>> -> memref<320x32xf32, #tpu.memory_space<hbm>>
        %dma_start3A_180 = arith.constant 0 : i32
        %dma_start3A_181 = arith.constant 0 : i32
        %dma_start3A_182 = tpu.memref_slice %arg6[%dma_start3A_180, %dma_start3A_181] : memref<320x32xf32, #tpu.memory_space<vmem>> -> memref<320x32xf32, #tpu.memory_space<vmem>>
        tpu.enqueue_dma source(%dma_start3A_182 : memref<320x32xf32, #tpu.memory_space<vmem>>) target(%dma_start3A_179 : memref<320x32xf32, #tpu.memory_space<hbm>>) target_semaphore(%arg12 : memref<!tpu.dma_semaphore, #tpu.memory_space<semaphore_mem>>)
      } else {
      }
      %mul3A_75 = arith.constant 3 : i32
      %mul3A_76 = arith.muli %scan3A_12, %mul3A_75 : i32
      %add3A_77 = arith.constant 1 : i32
      %add3A_78 = arith.addi %mul3A_76, %add3A_77 : i32
      %mul3A_79 = arith.constant 32 : i32
      %mul3A_80 = arith.muli %add3A_78, %mul3A_79 : i32
      %add3A_81 = arith.addi %mul3A_80, %add3A : i32
      %lt3A_82 = arith.constant 3125 : i32
      %lt3A_83 = arith.cmpi slt, %add3A_81, %lt3A_82 : i32
      %convert_element_type3A_84 = arith.extui %lt3A_83 : i1 to i32
      %cond3A_85 = arith.constant 0 : i32
      %cond3A_86 = arith.cmpi ne, %convert_element_type3A_84, %cond3A_85 : i32
      scf.if %cond3A_86 {
        %mul3A_153 = arith.constant 32 : i32
        %mul3A_154 = arith.muli %add3A_78, %mul3A_153 : i32
        %add3A_155 = arith.addi %mul3A_154, %add3A : i32
        %mul3A_156 = arith.constant 320 : i32
        %mul3A_157 = arith.muli %add3A_155, %mul3A_156 : i32
        %multiple_of3A_158 = tpu.assume_multiple %mul3A_157, 8 : i32
        %dma_wait3A = arith.constant 0 : i32
        %dma_wait3A_159 = arith.constant 0 : i32
        %dma_wait3A_160 = tpu.memref_slice %arg7[%dma_wait3A, %dma_wait3A_159] : memref<320x32xf32, #tpu.memory_space<vmem>> -> memref<320x32xf32, #tpu.memory_space<vmem>>
        %dma_wait3A_161 = arith.constant 0 : i32
        %dma_wait3A_162 = tpu.memref_slice %arg3[%multiple_of3A_158, %dma_wait3A_161] : memref<1000000x32xf32, #tpu.memory_space<hbm>> -> memref<320x32xf32, #tpu.memory_space<hbm>>
        %dma_wait3A_163 = arith.constant 0 : i32
        %dma_wait3A_164 = arith.constant 0 : i32
        %dma_wait3A_165 = tpu.memref_slice %arg7[%dma_wait3A_163, %dma_wait3A_164] : memref<320x32xf32, #tpu.memory_space<vmem>> -> memref<320x32xf32, #tpu.memory_space<vmem>>
        %dma_wait3A_166 = arith.constant 0 : i32
        %dma_wait3A_167 = tpu.memref_slice %arg3[%multiple_of3A_158, %dma_wait3A_166] : memref<1000000x32xf32, #tpu.memory_space<hbm>> -> memref<320x32xf32, #tpu.memory_space<hbm>>
        tpu.wait_dma2 semaphore(%arg10 : memref<!tpu.dma_semaphore, #tpu.memory_space<semaphore_mem>>) src(%dma_wait3A_167 : memref<320x32xf32, #tpu.memory_space<hbm>>) dst(%dma_wait3A_165 : memref<320x32xf32, #tpu.memory_space<vmem>>)
        %mul3A_168 = arith.constant 32 : i32
        %mul3A_169 = arith.muli %add3A_78, %mul3A_168 : i32
        %add3A_170 = arith.addi %mul3A_169, %add3A : i32
        %mul3A_171 = arith.constant 320 : i32
        %mul3A_172 = arith.muli %add3A_170, %mul3A_171 : i32
        %multiple_of3A_173 = tpu.assume_multiple %mul3A_172, 8 : i32
        %dma_start3A = arith.constant 0 : i32
        %dma_start3A_174 = arith.constant 0 : i32
        %dma_start3A_175 = tpu.memref_slice %arg7[%dma_start3A, %dma_start3A_174] : memref<320x32xf32, #tpu.memory_space<vmem>> -> memref<320x32xf32, #tpu.memory_space<vmem>>
        %dma_start3A_176 = arith.constant 0 : i32
        %dma_start3A_177 = tpu.memref_slice %arg5[%multiple_of3A_173, %dma_start3A_176] : memref<1000000x32xf32, #tpu.memory_space<hbm>> -> memref<320x32xf32, #tpu.memory_space<hbm>>
        %dma_start3A_178 = arith.constant 0 : i32
        %dma_start3A_179 = tpu.memref_slice %arg5[%multiple_of3A_173, %dma_start3A_178] : memref<1000000x32xf32, #tpu.memory_space<hbm>> -> memref<320x32xf32, #tpu.memory_space<hbm>>
        %dma_start3A_180 = arith.constant 0 : i32
        %dma_start3A_181 = arith.constant 0 : i32
        %dma_start3A_182 = tpu.memref_slice %arg7[%dma_start3A_180, %dma_start3A_181] : memref<320x32xf32, #tpu.memory_space<vmem>> -> memref<320x32xf32, #tpu.memory_space<vmem>>
        tpu.enqueue_dma source(%dma_start3A_182 : memref<320x32xf32, #tpu.memory_space<vmem>>) target(%dma_start3A_179 : memref<320x32xf32, #tpu.memory_space<hbm>>) target_semaphore(%arg13 : memref<!tpu.dma_semaphore, #tpu.memory_space<semaphore_mem>>)
      } else {
      }
      %mul3A_87 = arith.constant 3 : i32
      %mul3A_88 = arith.muli %scan3A_12, %mul3A_87 : i32
      %add3A_89 = arith.constant 2 : i32
      %add3A_90 = arith.addi %mul3A_88, %add3A_89 : i32
      %mul3A_91 = arith.constant 32 : i32
      %mul3A_92 = arith.muli %add3A_90, %mul3A_91 : i32
      %add3A_93 = arith.addi %mul3A_92, %add3A : i32
      %lt3A_94 = arith.constant 3125 : i32
      %lt3A_95 = arith.cmpi slt, %add3A_93, %lt3A_94 : i32
      %convert_element_type3A_96 = arith.extui %lt3A_95 : i1 to i32
      %cond3A_97 = arith.constant 0 : i32
      %cond3A_98 = arith.cmpi ne, %convert_element_type3A_96, %cond3A_97 : i32
      scf.if %cond3A_98 {
        %mul3A_153 = arith.constant 32 : i32
        %mul3A_154 = arith.muli %add3A_90, %mul3A_153 : i32
        %add3A_155 = arith.addi %mul3A_154, %add3A : i32
        %mul3A_156 = arith.constant 320 : i32
        %mul3A_157 = arith.muli %add3A_155, %mul3A_156 : i32
        %multiple_of3A_158 = tpu.assume_multiple %mul3A_157, 8 : i32
        %dma_wait3A = arith.constant 0 : i32
        %dma_wait3A_159 = arith.constant 0 : i32
        %dma_wait3A_160 = tpu.memref_slice %arg8[%dma_wait3A, %dma_wait3A_159] : memref<320x32xf32, #tpu.memory_space<vmem>> -> memref<320x32xf32, #tpu.memory_space<vmem>>
        %dma_wait3A_161 = arith.constant 0 : i32
        %dma_wait3A_162 = tpu.memref_slice %arg3[%multiple_of3A_158, %dma_wait3A_161] : memref<1000000x32xf32, #tpu.memory_space<hbm>> -> memref<320x32xf32, #tpu.memory_space<hbm>>
        %dma_wait3A_163 = arith.constant 0 : i32
        %dma_wait3A_164 = arith.constant 0 : i32
        %dma_wait3A_165 = tpu.memref_slice %arg8[%dma_wait3A_163, %dma_wait3A_164] : memref<320x32xf32, #tpu.memory_space<vmem>> -> memref<320x32xf32, #tpu.memory_space<vmem>>
        %dma_wait3A_166 = arith.constant 0 : i32
        %dma_wait3A_167 = tpu.memref_slice %arg3[%multiple_of3A_158, %dma_wait3A_166] : memref<1000000x32xf32, #tpu.memory_space<hbm>> -> memref<320x32xf32, #tpu.memory_space<hbm>>
        tpu.wait_dma2 semaphore(%arg11 : memref<!tpu.dma_semaphore, #tpu.memory_space<semaphore_mem>>) src(%dma_wait3A_167 : memref<320x32xf32, #tpu.memory_space<hbm>>) dst(%dma_wait3A_165 : memref<320x32xf32, #tpu.memory_space<vmem>>)
        %mul3A_168 = arith.constant 32 : i32
        %mul3A_169 = arith.muli %add3A_90, %mul3A_168 : i32
        %add3A_170 = arith.addi %mul3A_169, %add3A : i32
        %mul3A_171 = arith.constant 320 : i32
        %mul3A_172 = arith.muli %add3A_170, %mul3A_171 : i32
        %multiple_of3A_173 = tpu.assume_multiple %mul3A_172, 8 : i32
        %dma_start3A = arith.constant 0 : i32
        %dma_start3A_174 = arith.constant 0 : i32
        %dma_start3A_175 = tpu.memref_slice %arg8[%dma_start3A, %dma_start3A_174] : memref<320x32xf32, #tpu.memory_space<vmem>> -> memref<320x32xf32, #tpu.memory_space<vmem>>
        %dma_start3A_176 = arith.constant 0 : i32
        %dma_start3A_177 = tpu.memref_slice %arg5[%multiple_of3A_173, %dma_start3A_176] : memref<1000000x32xf32, #tpu.memory_space<hbm>> -> memref<320x32xf32, #tpu.memory_space<hbm>>
        %dma_start3A_178 = arith.constant 0 : i32
        %dma_start3A_179 = tpu.memref_slice %arg5[%multiple_of3A_173, %dma_start3A_178] : memref<1000000x32xf32, #tpu.memory_space<hbm>> -> memref<320x32xf32, #tpu.memory_space<hbm>>
        %dma_start3A_180 = arith.constant 0 : i32
        %dma_start3A_181 = arith.constant 0 : i32
        %dma_start3A_182 = tpu.memref_slice %arg8[%dma_start3A_180, %dma_start3A_181] : memref<320x32xf32, #tpu.memory_space<vmem>> -> memref<320x32xf32, #tpu.memory_space<vmem>>
        tpu.enqueue_dma source(%dma_start3A_182 : memref<320x32xf32, #tpu.memory_space<vmem>>) target(%dma_start3A_179 : memref<320x32xf32, #tpu.memory_space<hbm>>) target_semaphore(%arg14 : memref<!tpu.dma_semaphore, #tpu.memory_space<semaphore_mem>>)
      } else {
      }
      %mul3A_99 = arith.constant 3 : i32
      %mul3A_100 = arith.muli %scan3A_12, %mul3A_99 : i32
      %add3A_101 = arith.constant 0 : i32
      %add3A_102 = arith.addi %mul3A_100, %add3A_101 : i32
      %mul3A_103 = arith.constant 32 : i32
      %mul3A_104 = arith.muli %add3A_102, %mul3A_103 : i32
      %add3A_105 = arith.addi %mul3A_104, %add3A : i32
      %lt3A_106 = arith.constant 3125 : i32
      %lt3A_107 = arith.cmpi slt, %add3A_105, %lt3A_106 : i32
      %mul3A_108 = arith.constant 32 : i32
      %mul3A_109 = arith.muli %add3A_102, %mul3A_108 : i32
      %add3A_110 = arith.addi %mul3A_109, %add3A : i32
      %mul3A_111 = arith.constant 320 : i32
      %mul3A_112 = arith.muli %add3A_110, %mul3A_111 : i32
      %multiple_of3A_113 = tpu.assume_multiple %mul3A_112, 8 : i32
      %convert_element_type3A_114 = arith.extui %lt3A_107 : i1 to i32
      %cond3A_115 = arith.constant 0 : i32
      %cond3A_116 = arith.cmpi ne, %convert_element_type3A_114, %cond3A_115 : i32
      scf.if %cond3A_116 {
        %dma_wait3A = arith.constant 0 : i32
        %dma_wait3A_153 = arith.constant 0 : i32
        %dma_wait3A_154 = tpu.memref_slice %arg6[%dma_wait3A, %dma_wait3A_153] : memref<320x32xf32, #tpu.memory_space<vmem>> -> memref<320x32xf32, #tpu.memory_space<vmem>>
        %dma_wait3A_155 = arith.constant 0 : i32
        %dma_wait3A_156 = tpu.memref_slice %arg5[%multiple_of3A_113, %dma_wait3A_155] : memref<1000000x32xf32, #tpu.memory_space<hbm>> -> memref<320x32xf32, #tpu.memory_space<hbm>>
        %dma_wait3A_157 = arith.constant 0 : i32
        %dma_wait3A_158 = tpu.memref_slice %arg5[%multiple_of3A_113, %dma_wait3A_157] : memref<1000000x32xf32, #tpu.memory_space<hbm>> -> memref<320x32xf32, #tpu.memory_space<hbm>>
        %dma_wait3A_159 = arith.constant 0 : i32
        %dma_wait3A_160 = arith.constant 0 : i32
        %dma_wait3A_161 = tpu.memref_slice %arg6[%dma_wait3A_159, %dma_wait3A_160] : memref<320x32xf32, #tpu.memory_space<vmem>> -> memref<320x32xf32, #tpu.memory_space<vmem>>
        tpu.wait_dma2 semaphore(%arg12 : memref<!tpu.dma_semaphore, #tpu.memory_space<semaphore_mem>>) src(%dma_wait3A_161 : memref<320x32xf32, #tpu.memory_space<vmem>>) dst(%dma_wait3A_158 : memref<320x32xf32, #tpu.memory_space<hbm>>)
      } else {
      }
      %mul3A_117 = arith.constant 3 : i32
      %mul3A_118 = arith.muli %scan3A_12, %mul3A_117 : i32
      %add3A_119 = arith.constant 1 : i32
      %add3A_120 = arith.addi %mul3A_118, %add3A_119 : i32
      %mul3A_121 = arith.constant 32 : i32
      %mul3A_122 = arith.muli %add3A_120, %mul3A_121 : i32
      %add3A_123 = arith.addi %mul3A_122, %add3A : i32
      %lt3A_124 = arith.constant 3125 : i32
      %lt3A_125 = arith.cmpi slt, %add3A_123, %lt3A_124 : i32
      %mul3A_126 = arith.constant 32 : i32
      %mul3A_127 = arith.muli %add3A_120, %mul3A_126 : i32
      %add3A_128 = arith.addi %mul3A_127, %add3A : i32
      %mul3A_129 = arith.constant 320 : i32
      %mul3A_130 = arith.muli %add3A_128, %mul3A_129 : i32
      %multiple_of3A_131 = tpu.assume_multiple %mul3A_130, 8 : i32
      %convert_element_type3A_132 = arith.extui %lt3A_125 : i1 to i32
      %cond3A_133 = arith.constant 0 : i32
      %cond3A_134 = arith.cmpi ne, %convert_element_type3A_132, %cond3A_133 : i32
      scf.if %cond3A_134 {
        %dma_wait3A = arith.constant 0 : i32
        %dma_wait3A_153 = arith.constant 0 : i32
        %dma_wait3A_154 = tpu.memref_slice %arg7[%dma_wait3A, %dma_wait3A_153] : memref<320x32xf32, #tpu.memory_space<vmem>> -> memref<320x32xf32, #tpu.memory_space<vmem>>
        %dma_wait3A_155 = arith.constant 0 : i32
        %dma_wait3A_156 = tpu.memref_slice %arg5[%multiple_of3A_131, %dma_wait3A_155] : memref<1000000x32xf32, #tpu.memory_space<hbm>> -> memref<320x32xf32, #tpu.memory_space<hbm>>
        %dma_wait3A_157 = arith.constant 0 : i32
        %dma_wait3A_158 = tpu.memref_slice %arg5[%multiple_of3A_131, %dma_wait3A_157] : memref<1000000x32xf32, #tpu.memory_space<hbm>> -> memref<320x32xf32, #tpu.memory_space<hbm>>
        %dma_wait3A_159 = arith.constant 0 : i32
        %dma_wait3A_160 = arith.constant 0 : i32
        %dma_wait3A_161 = tpu.memref_slice %arg7[%dma_wait3A_159, %dma_wait3A_160] : memref<320x32xf32, #tpu.memory_space<vmem>> -> memref<320x32xf32, #tpu.memory_space<vmem>>
        tpu.wait_dma2 semaphore(%arg13 : memref<!tpu.dma_semaphore, #tpu.memory_space<semaphore_mem>>) src(%dma_wait3A_161 : memref<320x32xf32, #tpu.memory_space<vmem>>) dst(%dma_wait3A_158 : memref<320x32xf32, #tpu.memory_space<hbm>>)
      } else {
      }
      %mul3A_135 = arith.constant 3 : i32
      %mul3A_136 = arith.muli %scan3A_12, %mul3A_135 : i32
      %add3A_137 = arith.constant 2 : i32
      %add3A_138 = arith.addi %mul3A_136, %add3A_137 : i32
      %mul3A_139 = arith.constant 32 : i32
      %mul3A_140 = arith.muli %add3A_138, %mul3A_139 : i32
      %add3A_141 = arith.addi %mul3A_140, %add3A : i32
      %lt3A_142 = arith.constant 3125 : i32
      %lt3A_143 = arith.cmpi slt, %add3A_141, %lt3A_142 : i32
      %mul3A_144 = arith.constant 32 : i32
      %mul3A_145 = arith.muli %add3A_138, %mul3A_144 : i32
      %add3A_146 = arith.addi %mul3A_145, %add3A : i32
      %mul3A_147 = arith.constant 320 : i32
      %mul3A_148 = arith.muli %add3A_146, %mul3A_147 : i32
      %multiple_of3A_149 = tpu.assume_multiple %mul3A_148, 8 : i32
      %convert_element_type3A_150 = arith.extui %lt3A_143 : i1 to i32
      %cond3A_151 = arith.constant 0 : i32
      %cond3A_152 = arith.cmpi ne, %convert_element_type3A_150, %cond3A_151 : i32
      scf.if %cond3A_152 {
        %dma_wait3A = arith.constant 0 : i32
        %dma_wait3A_153 = arith.constant 0 : i32
        %dma_wait3A_154 = tpu.memref_slice %arg8[%dma_wait3A, %dma_wait3A_153] : memref<320x32xf32, #tpu.memory_space<vmem>> -> memref<320x32xf32, #tpu.memory_space<vmem>>
        %dma_wait3A_155 = arith.constant 0 : i32
        %dma_wait3A_156 = tpu.memref_slice %arg5[%multiple_of3A_149, %dma_wait3A_155] : memref<1000000x32xf32, #tpu.memory_space<hbm>> -> memref<320x32xf32, #tpu.memory_space<hbm>>
        %dma_wait3A_157 = arith.constant 0 : i32
        %dma_wait3A_158 = tpu.memref_slice %arg5[%multiple_of3A_149, %dma_wait3A_157] : memref<1000000x32xf32, #tpu.memory_space<hbm>> -> memref<320x32xf32, #tpu.memory_space<hbm>>
        %dma_wait3A_159 = arith.constant 0 : i32
        %dma_wait3A_160 = arith.constant 0 : i32
        %dma_wait3A_161 = tpu.memref_slice %arg8[%dma_wait3A_159, %dma_wait3A_160] : memref<320x32xf32, #tpu.memory_space<vmem>> -> memref<320x32xf32, #tpu.memory_space<vmem>>
        tpu.wait_dma2 semaphore(%arg14 : memref<!tpu.dma_semaphore, #tpu.memory_space<semaphore_mem>>) src(%dma_wait3A_161 : memref<320x32xf32, #tpu.memory_space<vmem>>) dst(%dma_wait3A_158 : memref<320x32xf32, #tpu.memory_space<hbm>>)
      } else {
      }
    }
    %scan3A_5 = arith.constant 33 : i32
    %scan3A_6 = arith.constant 0 : i32
    %scan3A_7 = arith.constant 0 : i32
    %scan3A_8 = arith.constant 6 : i32
    %scan3A_9 = arith.addi %scan3A_7, %scan3A_8 : i32
    %scan3A_10 = arith.constant 1 : i32
    scf.for %scan3A_12 = %scan3A_7 to %scan3A_9 step %scan3A_10  : i32 {
      %mul3A_13 = arith.constant 3 : i32
      %mul3A_14 = arith.muli %scan3A_12, %mul3A_13 : i32
      %add3A_15 = arith.constant 0 : i32
      %add3A_16 = arith.addi %mul3A_14, %add3A_15 : i32
      %mul3A_17 = arith.constant 32 : i32
      %mul3A_18 = arith.muli %add3A_16, %mul3A_17 : i32
      %add3A_19 = arith.addi %mul3A_18, %add3A : i32
      %lt3A = arith.constant 500 : i32
      %lt3A_20 = arith.cmpi slt, %add3A_19, %lt3A : i32
      %mul3A_21 = arith.constant 32 : i32
      %mul3A_22 = arith.muli %add3A_16, %mul3A_21 : i32
      %add3A_23 = arith.addi %mul3A_22, %add3A : i32
      %mul3A_24 = arith.constant 200 : i32
      %mul3A_25 = arith.muli %add3A_23, %mul3A_24 : i32
      %multiple_of3A = tpu.assume_multiple %mul3A_25, 8 : i32
      %convert_element_type3A = arith.extui %lt3A_20 : i1 to i32
      %cond3A = arith.constant 0 : i32
      %cond3A_26 = arith.cmpi ne, %convert_element_type3A, %cond3A : i32
      scf.if %cond3A_26 {
        %dma_start3A = arith.constant 0 : i32
        %dma_start3A_153 = arith.constant 0 : i32
        %dma_start3A_154 = tpu.memref_slice %arg6[%dma_start3A, %dma_start3A_153] : memref<320x32xf32, #tpu.memory_space<vmem>> -> memref<200x32xf32, #tpu.memory_space<vmem>>
        %dma_start3A_155 = arith.constant 0 : i32
        %dma_start3A_156 = tpu.memref_slice %arg2[%multiple_of3A, %dma_start3A_155] : memref<100000x32xf32, #tpu.memory_space<hbm>> -> memref<200x32xf32, #tpu.memory_space<hbm>>
        %dma_start3A_157 = arith.constant 0 : i32
        %dma_start3A_158 = arith.constant 0 : i32
        %dma_start3A_159 = tpu.memref_slice %arg6[%dma_start3A_157, %dma_start3A_158] : memref<320x32xf32, #tpu.memory_space<vmem>> -> memref<200x32xf32, #tpu.memory_space<vmem>>
        %dma_start3A_160 = arith.constant 0 : i32
        %dma_start3A_161 = tpu.memref_slice %arg2[%multiple_of3A, %dma_start3A_160] : memref<100000x32xf32, #tpu.memory_space<hbm>> -> memref<200x32xf32, #tpu.memory_space<hbm>>
        tpu.enqueue_dma source(%dma_start3A_161 : memref<200x32xf32, #tpu.memory_space<hbm>>) target(%dma_start3A_159 : memref<200x32xf32, #tpu.memory_space<vmem>>) target_semaphore(%arg9 : memref<!tpu.dma_semaphore, #tpu.memory_space<semaphore_mem>>)
      } else {
      }
      %mul3A_27 = arith.constant 3 : i32
      %mul3A_28 = arith.muli %scan3A_12, %mul3A_27 : i32
      %add3A_29 = arith.constant 1 : i32
      %add3A_30 = arith.addi %mul3A_28, %add3A_29 : i32
      %mul3A_31 = arith.constant 32 : i32
      %mul3A_32 = arith.muli %add3A_30, %mul3A_31 : i32
      %add3A_33 = arith.addi %mul3A_32, %add3A : i32
      %lt3A_34 = arith.constant 500 : i32
      %lt3A_35 = arith.cmpi slt, %add3A_33, %lt3A_34 : i32
      %mul3A_36 = arith.constant 32 : i32
      %mul3A_37 = arith.muli %add3A_30, %mul3A_36 : i32
      %add3A_38 = arith.addi %mul3A_37, %add3A : i32
      %mul3A_39 = arith.constant 200 : i32
      %mul3A_40 = arith.muli %add3A_38, %mul3A_39 : i32
      %multiple_of3A_41 = tpu.assume_multiple %mul3A_40, 8 : i32
      %convert_element_type3A_42 = arith.extui %lt3A_35 : i1 to i32
      %cond3A_43 = arith.constant 0 : i32
      %cond3A_44 = arith.cmpi ne, %convert_element_type3A_42, %cond3A_43 : i32
      scf.if %cond3A_44 {
        %dma_start3A = arith.constant 0 : i32
        %dma_start3A_153 = arith.constant 0 : i32
        %dma_start3A_154 = tpu.memref_slice %arg7[%dma_start3A, %dma_start3A_153] : memref<320x32xf32, #tpu.memory_space<vmem>> -> memref<200x32xf32, #tpu.memory_space<vmem>>
        %dma_start3A_155 = arith.constant 0 : i32
        %dma_start3A_156 = tpu.memref_slice %arg2[%multiple_of3A_41, %dma_start3A_155] : memref<100000x32xf32, #tpu.memory_space<hbm>> -> memref<200x32xf32, #tpu.memory_space<hbm>>
        %dma_start3A_157 = arith.constant 0 : i32
        %dma_start3A_158 = arith.constant 0 : i32
        %dma_start3A_159 = tpu.memref_slice %arg7[%dma_start3A_157, %dma_start3A_158] : memref<320x32xf32, #tpu.memory_space<vmem>> -> memref<200x32xf32, #tpu.memory_space<vmem>>
        %dma_start3A_160 = arith.constant 0 : i32
        %dma_start3A_161 = tpu.memref_slice %arg2[%multiple_of3A_41, %dma_start3A_160] : memref<100000x32xf32, #tpu.memory_space<hbm>> -> memref<200x32xf32, #tpu.memory_space<hbm>>
        tpu.enqueue_dma source(%dma_start3A_161 : memref<200x32xf32, #tpu.memory_space<hbm>>) target(%dma_start3A_159 : memref<200x32xf32, #tpu.memory_space<vmem>>) target_semaphore(%arg10 : memref<!tpu.dma_semaphore, #tpu.memory_space<semaphore_mem>>)
      } else {
      }
      %mul3A_45 = arith.constant 3 : i32
      %mul3A_46 = arith.muli %scan3A_12, %mul3A_45 : i32
      %add3A_47 = arith.constant 2 : i32
      %add3A_48 = arith.addi %mul3A_46, %add3A_47 : i32
      %mul3A_49 = arith.constant 32 : i32
      %mul3A_50 = arith.muli %add3A_48, %mul3A_49 : i32
      %add3A_51 = arith.addi %mul3A_50, %add3A : i32
      %lt3A_52 = arith.constant 500 : i32
      %lt3A_53 = arith.cmpi slt, %add3A_51, %lt3A_52 : i32
      %mul3A_54 = arith.constant 32 : i32
      %mul3A_55 = arith.muli %add3A_48, %mul3A_54 : i32
      %add3A_56 = arith.addi %mul3A_55, %add3A : i32
      %mul3A_57 = arith.constant 200 : i32
      %mul3A_58 = arith.muli %add3A_56, %mul3A_57 : i32
      %multiple_of3A_59 = tpu.assume_multiple %mul3A_58, 8 : i32
      %convert_element_type3A_60 = arith.extui %lt3A_53 : i1 to i32
      %cond3A_61 = arith.constant 0 : i32
      %cond3A_62 = arith.cmpi ne, %convert_element_type3A_60, %cond3A_61 : i32
      scf.if %cond3A_62 {
        %dma_start3A = arith.constant 0 : i32
        %dma_start3A_153 = arith.constant 0 : i32
        %dma_start3A_154 = tpu.memref_slice %arg8[%dma_start3A, %dma_start3A_153] : memref<320x32xf32, #tpu.memory_space<vmem>> -> memref<200x32xf32, #tpu.memory_space<vmem>>
        %dma_start3A_155 = arith.constant 0 : i32
        %dma_start3A_156 = tpu.memref_slice %arg2[%multiple_of3A_59, %dma_start3A_155] : memref<100000x32xf32, #tpu.memory_space<hbm>> -> memref<200x32xf32, #tpu.memory_space<hbm>>
        %dma_start3A_157 = arith.constant 0 : i32
        %dma_start3A_158 = arith.constant 0 : i32
        %dma_start3A_159 = tpu.memref_slice %arg8[%dma_start3A_157, %dma_start3A_158] : memref<320x32xf32, #tpu.memory_space<vmem>> -> memref<200x32xf32, #tpu.memory_space<vmem>>
        %dma_start3A_160 = arith.constant 0 : i32
        %dma_start3A_161 = tpu.memref_slice %arg2[%multiple_of3A_59, %dma_start3A_160] : memref<100000x32xf32, #tpu.memory_space<hbm>> -> memref<200x32xf32, #tpu.memory_space<hbm>>
        tpu.enqueue_dma source(%dma_start3A_161 : memref<200x32xf32, #tpu.memory_space<hbm>>) target(%dma_start3A_159 : memref<200x32xf32, #tpu.memory_space<vmem>>) target_semaphore(%arg11 : memref<!tpu.dma_semaphore, #tpu.memory_space<semaphore_mem>>)
      } else {
      }
      %mul3A_63 = arith.constant 3 : i32
      %mul3A_64 = arith.muli %scan3A_12, %mul3A_63 : i32
      %add3A_65 = arith.constant 0 : i32
      %add3A_66 = arith.addi %mul3A_64, %add3A_65 : i32
      %mul3A_67 = arith.constant 32 : i32
      %mul3A_68 = arith.muli %add3A_66, %mul3A_67 : i32
      %add3A_69 = arith.addi %mul3A_68, %add3A : i32
      %lt3A_70 = arith.constant 500 : i32
      %lt3A_71 = arith.cmpi slt, %add3A_69, %lt3A_70 : i32
      %convert_element_type3A_72 = arith.extui %lt3A_71 : i1 to i32
      %cond3A_73 = arith.constant 0 : i32
      %cond3A_74 = arith.cmpi ne, %convert_element_type3A_72, %cond3A_73 : i32
      scf.if %cond3A_74 {
        %mul3A_153 = arith.constant 32 : i32
        %mul3A_154 = arith.muli %add3A_66, %mul3A_153 : i32
        %add3A_155 = arith.addi %mul3A_154, %add3A : i32
        %mul3A_156 = arith.constant 200 : i32
        %mul3A_157 = arith.muli %add3A_155, %mul3A_156 : i32
        %multiple_of3A_158 = tpu.assume_multiple %mul3A_157, 8 : i32
        %dma_wait3A = arith.constant 0 : i32
        %dma_wait3A_159 = arith.constant 0 : i32
        %dma_wait3A_160 = tpu.memref_slice %arg6[%dma_wait3A, %dma_wait3A_159] : memref<320x32xf32, #tpu.memory_space<vmem>> -> memref<200x32xf32, #tpu.memory_space<vmem>>
        %dma_wait3A_161 = arith.constant 0 : i32
        %dma_wait3A_162 = tpu.memref_slice %arg2[%multiple_of3A_158, %dma_wait3A_161] : memref<100000x32xf32, #tpu.memory_space<hbm>> -> memref<200x32xf32, #tpu.memory_space<hbm>>
        %dma_wait3A_163 = arith.constant 0 : i32
        %dma_wait3A_164 = arith.constant 0 : i32
        %dma_wait3A_165 = tpu.memref_slice %arg6[%dma_wait3A_163, %dma_wait3A_164] : memref<320x32xf32, #tpu.memory_space<vmem>> -> memref<200x32xf32, #tpu.memory_space<vmem>>
        %dma_wait3A_166 = arith.constant 0 : i32
        %dma_wait3A_167 = tpu.memref_slice %arg2[%multiple_of3A_158, %dma_wait3A_166] : memref<100000x32xf32, #tpu.memory_space<hbm>> -> memref<200x32xf32, #tpu.memory_space<hbm>>
        tpu.wait_dma2 semaphore(%arg9 : memref<!tpu.dma_semaphore, #tpu.memory_space<semaphore_mem>>) src(%dma_wait3A_167 : memref<200x32xf32, #tpu.memory_space<hbm>>) dst(%dma_wait3A_165 : memref<200x32xf32, #tpu.memory_space<vmem>>)
        %mul3A_168 = arith.constant 32 : i32
        %mul3A_169 = arith.muli %add3A_66, %mul3A_168 : i32
        %add3A_170 = arith.addi %mul3A_169, %add3A : i32
        %mul3A_171 = arith.constant 200 : i32
        %mul3A_172 = arith.muli %add3A_170, %mul3A_171 : i32
        %multiple_of3A_173 = tpu.assume_multiple %mul3A_172, 8 : i32
        %dma_start3A = arith.constant 0 : i32
        %dma_start3A_174 = arith.constant 0 : i32
        %dma_start3A_175 = tpu.memref_slice %arg6[%dma_start3A, %dma_start3A_174] : memref<320x32xf32, #tpu.memory_space<vmem>> -> memref<200x32xf32, #tpu.memory_space<vmem>>
        %dma_start3A_176 = arith.constant 0 : i32
        %dma_start3A_177 = tpu.memref_slice %arg4[%multiple_of3A_173, %dma_start3A_176] : memref<100000x32xf32, #tpu.memory_space<hbm>> -> memref<200x32xf32, #tpu.memory_space<hbm>>
        %dma_start3A_178 = arith.constant 0 : i32
        %dma_start3A_179 = tpu.memref_slice %arg4[%multiple_of3A_173, %dma_start3A_178] : memref<100000x32xf32, #tpu.memory_space<hbm>> -> memref<200x32xf32, #tpu.memory_space<hbm>>
        %dma_start3A_180 = arith.constant 0 : i32
        %dma_start3A_181 = arith.constant 0 : i32
        %dma_start3A_182 = tpu.memref_slice %arg6[%dma_start3A_180, %dma_start3A_181] : memref<320x32xf32, #tpu.memory_space<vmem>> -> memref<200x32xf32, #tpu.memory_space<vmem>>
        tpu.enqueue_dma source(%dma_start3A_182 : memref<200x32xf32, #tpu.memory_space<vmem>>) target(%dma_start3A_179 : memref<200x32xf32, #tpu.memory_space<hbm>>) target_semaphore(%arg12 : memref<!tpu.dma_semaphore, #tpu.memory_space<semaphore_mem>>)
      } else {
      }
      %mul3A_75 = arith.constant 3 : i32
      %mul3A_76 = arith.muli %scan3A_12, %mul3A_75 : i32
      %add3A_77 = arith.constant 1 : i32
      %add3A_78 = arith.addi %mul3A_76, %add3A_77 : i32
      %mul3A_79 = arith.constant 32 : i32
      %mul3A_80 = arith.muli %add3A_78, %mul3A_79 : i32
      %add3A_81 = arith.addi %mul3A_80, %add3A : i32
      %lt3A_82 = arith.constant 500 : i32
      %lt3A_83 = arith.cmpi slt, %add3A_81, %lt3A_82 : i32
      %convert_element_type3A_84 = arith.extui %lt3A_83 : i1 to i32
      %cond3A_85 = arith.constant 0 : i32
      %cond3A_86 = arith.cmpi ne, %convert_element_type3A_84, %cond3A_85 : i32
      scf.if %cond3A_86 {
        %mul3A_153 = arith.constant 32 : i32
        %mul3A_154 = arith.muli %add3A_78, %mul3A_153 : i32
        %add3A_155 = arith.addi %mul3A_154, %add3A : i32
        %mul3A_156 = arith.constant 200 : i32
        %mul3A_157 = arith.muli %add3A_155, %mul3A_156 : i32
        %multiple_of3A_158 = tpu.assume_multiple %mul3A_157, 8 : i32
        %dma_wait3A = arith.constant 0 : i32
        %dma_wait3A_159 = arith.constant 0 : i32
        %dma_wait3A_160 = tpu.memref_slice %arg7[%dma_wait3A, %dma_wait3A_159] : memref<320x32xf32, #tpu.memory_space<vmem>> -> memref<200x32xf32, #tpu.memory_space<vmem>>
        %dma_wait3A_161 = arith.constant 0 : i32
        %dma_wait3A_162 = tpu.memref_slice %arg2[%multiple_of3A_158, %dma_wait3A_161] : memref<100000x32xf32, #tpu.memory_space<hbm>> -> memref<200x32xf32, #tpu.memory_space<hbm>>
        %dma_wait3A_163 = arith.constant 0 : i32
        %dma_wait3A_164 = arith.constant 0 : i32
        %dma_wait3A_165 = tpu.memref_slice %arg7[%dma_wait3A_163, %dma_wait3A_164] : memref<320x32xf32, #tpu.memory_space<vmem>> -> memref<200x32xf32, #tpu.memory_space<vmem>>
        %dma_wait3A_166 = arith.constant 0 : i32
        %dma_wait3A_167 = tpu.memref_slice %arg2[%multiple_of3A_158, %dma_wait3A_166] : memref<100000x32xf32, #tpu.memory_space<hbm>> -> memref<200x32xf32, #tpu.memory_space<hbm>>
        tpu.wait_dma2 semaphore(%arg10 : memref<!tpu.dma_semaphore, #tpu.memory_space<semaphore_mem>>) src(%dma_wait3A_167 : memref<200x32xf32, #tpu.memory_space<hbm>>) dst(%dma_wait3A_165 : memref<200x32xf32, #tpu.memory_space<vmem>>)
        %mul3A_168 = arith.constant 32 : i32
        %mul3A_169 = arith.muli %add3A_78, %mul3A_168 : i32
        %add3A_170 = arith.addi %mul3A_169, %add3A : i32
        %mul3A_171 = arith.constant 200 : i32
        %mul3A_172 = arith.muli %add3A_170, %mul3A_171 : i32
        %multiple_of3A_173 = tpu.assume_multiple %mul3A_172, 8 : i32
        %dma_start3A = arith.constant 0 : i32
        %dma_start3A_174 = arith.constant 0 : i32
        %dma_start3A_175 = tpu.memref_slice %arg7[%dma_start3A, %dma_start3A_174] : memref<320x32xf32, #tpu.memory_space<vmem>> -> memref<200x32xf32, #tpu.memory_space<vmem>>
        %dma_start3A_176 = arith.constant 0 : i32
        %dma_start3A_177 = tpu.memref_slice %arg4[%multiple_of3A_173, %dma_start3A_176] : memref<100000x32xf32, #tpu.memory_space<hbm>> -> memref<200x32xf32, #tpu.memory_space<hbm>>
        %dma_start3A_178 = arith.constant 0 : i32
        %dma_start3A_179 = tpu.memref_slice %arg4[%multiple_of3A_173, %dma_start3A_178] : memref<100000x32xf32, #tpu.memory_space<hbm>> -> memref<200x32xf32, #tpu.memory_space<hbm>>
        %dma_start3A_180 = arith.constant 0 : i32
        %dma_start3A_181 = arith.constant 0 : i32
        %dma_start3A_182 = tpu.memref_slice %arg7[%dma_start3A_180, %dma_start3A_181] : memref<320x32xf32, #tpu.memory_space<vmem>> -> memref<200x32xf32, #tpu.memory_space<vmem>>
        tpu.enqueue_dma source(%dma_start3A_182 : memref<200x32xf32, #tpu.memory_space<vmem>>) target(%dma_start3A_179 : memref<200x32xf32, #tpu.memory_space<hbm>>) target_semaphore(%arg13 : memref<!tpu.dma_semaphore, #tpu.memory_space<semaphore_mem>>)
      } else {
      }
      %mul3A_87 = arith.constant 3 : i32
      %mul3A_88 = arith.muli %scan3A_12, %mul3A_87 : i32
      %add3A_89 = arith.constant 2 : i32
      %add3A_90 = arith.addi %mul3A_88, %add3A_89 : i32
      %mul3A_91 = arith.constant 32 : i32
      %mul3A_92 = arith.muli %add3A_90, %mul3A_91 : i32
      %add3A_93 = arith.addi %mul3A_92, %add3A : i32
      %lt3A_94 = arith.constant 500 : i32
      %lt3A_95 = arith.cmpi slt, %add3A_93, %lt3A_94 : i32
      %convert_element_type3A_96 = arith.extui %lt3A_95 : i1 to i32
      %cond3A_97 = arith.constant 0 : i32
      %cond3A_98 = arith.cmpi ne, %convert_element_type3A_96, %cond3A_97 : i32
      scf.if %cond3A_98 {
        %mul3A_153 = arith.constant 32 : i32
        %mul3A_154 = arith.muli %add3A_90, %mul3A_153 : i32
        %add3A_155 = arith.addi %mul3A_154, %add3A : i32
        %mul3A_156 = arith.constant 200 : i32
        %mul3A_157 = arith.muli %add3A_155, %mul3A_156 : i32
        %multiple_of3A_158 = tpu.assume_multiple %mul3A_157, 8 : i32
        %dma_wait3A = arith.constant 0 : i32
        %dma_wait3A_159 = arith.constant 0 : i32
        %dma_wait3A_160 = tpu.memref_slice %arg8[%dma_wait3A, %dma_wait3A_159] : memref<320x32xf32, #tpu.memory_space<vmem>> -> memref<200x32xf32, #tpu.memory_space<vmem>>
        %dma_wait3A_161 = arith.constant 0 : i32
        %dma_wait3A_162 = tpu.memref_slice %arg2[%multiple_of3A_158, %dma_wait3A_161] : memref<100000x32xf32, #tpu.memory_space<hbm>> -> memref<200x32xf32, #tpu.memory_space<hbm>>
        %dma_wait3A_163 = arith.constant 0 : i32
        %dma_wait3A_164 = arith.constant 0 : i32
        %dma_wait3A_165 = tpu.memref_slice %arg8[%dma_wait3A_163, %dma_wait3A_164] : memref<320x32xf32, #tpu.memory_space<vmem>> -> memref<200x32xf32, #tpu.memory_space<vmem>>
        %dma_wait3A_166 = arith.constant 0 : i32
        %dma_wait3A_167 = tpu.memref_slice %arg2[%multiple_of3A_158, %dma_wait3A_166] : memref<100000x32xf32, #tpu.memory_space<hbm>> -> memref<200x32xf32, #tpu.memory_space<hbm>>
        tpu.wait_dma2 semaphore(%arg11 : memref<!tpu.dma_semaphore, #tpu.memory_space<semaphore_mem>>) src(%dma_wait3A_167 : memref<200x32xf32, #tpu.memory_space<hbm>>) dst(%dma_wait3A_165 : memref<200x32xf32, #tpu.memory_space<vmem>>)
        %mul3A_168 = arith.constant 32 : i32
        %mul3A_169 = arith.muli %add3A_90, %mul3A_168 : i32
        %add3A_170 = arith.addi %mul3A_169, %add3A : i32
        %mul3A_171 = arith.constant 200 : i32
        %mul3A_172 = arith.muli %add3A_170, %mul3A_171 : i32
        %multiple_of3A_173 = tpu.assume_multiple %mul3A_172, 8 : i32
        %dma_start3A = arith.constant 0 : i32
        %dma_start3A_174 = arith.constant 0 : i32
        %dma_start3A_175 = tpu.memref_slice %arg8[%dma_start3A, %dma_start3A_174] : memref<320x32xf32, #tpu.memory_space<vmem>> -> memref<200x32xf32, #tpu.memory_space<vmem>>
        %dma_start3A_176 = arith.constant 0 : i32
        %dma_start3A_177 = tpu.memref_slice %arg4[%multiple_of3A_173, %dma_start3A_176] : memref<100000x32xf32, #tpu.memory_space<hbm>> -> memref<200x32xf32, #tpu.memory_space<hbm>>
        %dma_start3A_178 = arith.constant 0 : i32
        %dma_start3A_179 = tpu.memref_slice %arg4[%multiple_of3A_173, %dma_start3A_178] : memref<100000x32xf32, #tpu.memory_space<hbm>> -> memref<200x32xf32, #tpu.memory_space<hbm>>
        %dma_start3A_180 = arith.constant 0 : i32
        %dma_start3A_181 = arith.constant 0 : i32
        %dma_start3A_182 = tpu.memref_slice %arg8[%dma_start3A_180, %dma_start3A_181] : memref<320x32xf32, #tpu.memory_space<vmem>> -> memref<200x32xf32, #tpu.memory_space<vmem>>
        tpu.enqueue_dma source(%dma_start3A_182 : memref<200x32xf32, #tpu.memory_space<vmem>>) target(%dma_start3A_179 : memref<200x32xf32, #tpu.memory_space<hbm>>) target_semaphore(%arg14 : memref<!tpu.dma_semaphore, #tpu.memory_space<semaphore_mem>>)
      } else {
      }
      %mul3A_99 = arith.constant 3 : i32
      %mul3A_100 = arith.muli %scan3A_12, %mul3A_99 : i32
      %add3A_101 = arith.constant 0 : i32
      %add3A_102 = arith.addi %mul3A_100, %add3A_101 : i32
      %mul3A_103 = arith.constant 32 : i32
      %mul3A_104 = arith.muli %add3A_102, %mul3A_103 : i32
      %add3A_105 = arith.addi %mul3A_104, %add3A : i32
      %lt3A_106 = arith.constant 500 : i32
      %lt3A_107 = arith.cmpi slt, %add3A_105, %lt3A_106 : i32
      %mul3A_108 = arith.constant 32 : i32
      %mul3A_109 = arith.muli %add3A_102, %mul3A_108 : i32
      %add3A_110 = arith.addi %mul3A_109, %add3A : i32
      %mul3A_111 = arith.constant 200 : i32
      %mul3A_112 = arith.muli %add3A_110, %mul3A_111 : i32
      %multiple_of3A_113 = tpu.assume_multiple %mul3A_112, 8 : i32
      %convert_element_type3A_114 = arith.extui %lt3A_107 : i1 to i32
      %cond3A_115 = arith.constant 0 : i32
      %cond3A_116 = arith.cmpi ne, %convert_element_type3A_114, %cond3A_115 : i32
      scf.if %cond3A_116 {
        %dma_wait3A = arith.constant 0 : i32
        %dma_wait3A_153 = arith.constant 0 : i32
        %dma_wait3A_154 = tpu.memref_slice %arg6[%dma_wait3A, %dma_wait3A_153] : memref<320x32xf32, #tpu.memory_space<vmem>> -> memref<200x32xf32, #tpu.memory_space<vmem>>
        %dma_wait3A_155 = arith.constant 0 : i32
        %dma_wait3A_156 = tpu.memref_slice %arg4[%multiple_of3A_113, %dma_wait3A_155] : memref<100000x32xf32, #tpu.memory_space<hbm>> -> memref<200x32xf32, #tpu.memory_space<hbm>>
        %dma_wait3A_157 = arith.constant 0 : i32
        %dma_wait3A_158 = tpu.memref_slice %arg4[%multiple_of3A_113, %dma_wait3A_157] : memref<100000x32xf32, #tpu.memory_space<hbm>> -> memref<200x32xf32, #tpu.memory_space<hbm>>
        %dma_wait3A_159 = arith.constant 0 : i32
        %dma_wait3A_160 = arith.constant 0 : i32
        %dma_wait3A_161 = tpu.memref_slice %arg6[%dma_wait3A_159, %dma_wait3A_160] : memref<320x32xf32, #tpu.memory_space<vmem>> -> memref<200x32xf32, #tpu.memory_space<vmem>>
        tpu.wait_dma2 semaphore(%arg12 : memref<!tpu.dma_semaphore, #tpu.memory_space<semaphore_mem>>) src(%dma_wait3A_161 : memref<200x32xf32, #tpu.memory_space<vmem>>) dst(%dma_wait3A_158 : memref<200x32xf32, #tpu.memory_space<hbm>>)
      } else {
      }
      %mul3A_117 = arith.constant 3 : i32
      %mul3A_118 = arith.muli %scan3A_12, %mul3A_117 : i32
      %add3A_119 = arith.constant 1 : i32
      %add3A_120 = arith.addi %mul3A_118, %add3A_119 : i32
      %mul3A_121 = arith.constant 32 : i32
      %mul3A_122 = arith.muli %add3A_120, %mul3A_121 : i32
      %add3A_123 = arith.addi %mul3A_122, %add3A : i32
      %lt3A_124 = arith.constant 500 : i32
      %lt3A_125 = arith.cmpi slt, %add3A_123, %lt3A_124 : i32
      %mul3A_126 = arith.constant 32 : i32
      %mul3A_127 = arith.muli %add3A_120, %mul3A_126 : i32
      %add3A_128 = arith.addi %mul3A_127, %add3A : i32
      %mul3A_129 = arith.constant 200 : i32
      %mul3A_130 = arith.muli %add3A_128, %mul3A_129 : i32
      %multiple_of3A_131 = tpu.assume_multiple %mul3A_130, 8 : i32
      %convert_element_type3A_132 = arith.extui %lt3A_125 : i1 to i32
      %cond3A_133 = arith.constant 0 : i32
      %cond3A_134 = arith.cmpi ne, %convert_element_type3A_132, %cond3A_133 : i32
      scf.if %cond3A_134 {
        %dma_wait3A = arith.constant 0 : i32
        %dma_wait3A_153 = arith.constant 0 : i32
        %dma_wait3A_154 = tpu.memref_slice %arg7[%dma_wait3A, %dma_wait3A_153] : memref<320x32xf32, #tpu.memory_space<vmem>> -> memref<200x32xf32, #tpu.memory_space<vmem>>
        %dma_wait3A_155 = arith.constant 0 : i32
        %dma_wait3A_156 = tpu.memref_slice %arg4[%multiple_of3A_131, %dma_wait3A_155] : memref<100000x32xf32, #tpu.memory_space<hbm>> -> memref<200x32xf32, #tpu.memory_space<hbm>>
        %dma_wait3A_157 = arith.constant 0 : i32
        %dma_wait3A_158 = tpu.memref_slice %arg4[%multiple_of3A_131, %dma_wait3A_157] : memref<100000x32xf32, #tpu.memory_space<hbm>> -> memref<200x32xf32, #tpu.memory_space<hbm>>
        %dma_wait3A_159 = arith.constant 0 : i32
        %dma_wait3A_160 = arith.constant 0 : i32
        %dma_wait3A_161 = tpu.memref_slice %arg7[%dma_wait3A_159, %dma_wait3A_160] : memref<320x32xf32, #tpu.memory_space<vmem>> -> memref<200x32xf32, #tpu.memory_space<vmem>>
        tpu.wait_dma2 semaphore(%arg13 : memref<!tpu.dma_semaphore, #tpu.memory_space<semaphore_mem>>) src(%dma_wait3A_161 : memref<200x32xf32, #tpu.memory_space<vmem>>) dst(%dma_wait3A_158 : memref<200x32xf32, #tpu.memory_space<hbm>>)
      } else {
      }
      %mul3A_135 = arith.constant 3 : i32
      %mul3A_136 = arith.muli %scan3A_12, %mul3A_135 : i32
      %add3A_137 = arith.constant 2 : i32
      %add3A_138 = arith.addi %mul3A_136, %add3A_137 : i32
      %mul3A_139 = arith.constant 32 : i32
      %mul3A_140 = arith.muli %add3A_138, %mul3A_139 : i32
      %add3A_141 = arith.addi %mul3A_140, %add3A : i32
      %lt3A_142 = arith.constant 500 : i32
      %lt3A_143 = arith.cmpi slt, %add3A_141, %lt3A_142 : i32
      %mul3A_144 = arith.constant 32 : i32
      %mul3A_145 = arith.muli %add3A_138, %mul3A_144 : i32
      %add3A_146 = arith.addi %mul3A_145, %add3A : i32
      %mul3A_147 = arith.constant 200 : i32
      %mul3A_148 = arith.muli %add3A_146, %mul3A_147 : i32
      %multiple_of3A_149 = tpu.assume_multiple %mul3A_148, 8 : i32
      %convert_element_type3A_150 = arith.extui %lt3A_143 : i1 to i32
      %cond3A_151 = arith.constant 0 : i32
      %cond3A_152 = arith.cmpi ne, %convert_element_type3A_150, %cond3A_151 : i32
      scf.if %cond3A_152 {
        %dma_wait3A = arith.constant 0 : i32
        %dma_wait3A_153 = arith.constant 0 : i32
        %dma_wait3A_154 = tpu.memref_slice %arg8[%dma_wait3A, %dma_wait3A_153] : memref<320x32xf32, #tpu.memory_space<vmem>> -> memref<200x32xf32, #tpu.memory_space<vmem>>
        %dma_wait3A_155 = arith.constant 0 : i32
        %dma_wait3A_156 = tpu.memref_slice %arg4[%multiple_of3A_149, %dma_wait3A_155] : memref<100000x32xf32, #tpu.memory_space<hbm>> -> memref<200x32xf32, #tpu.memory_space<hbm>>
        %dma_wait3A_157 = arith.constant 0 : i32
        %dma_wait3A_158 = tpu.memref_slice %arg4[%multiple_of3A_149, %dma_wait3A_157] : memref<100000x32xf32, #tpu.memory_space<hbm>> -> memref<200x32xf32, #tpu.memory_space<hbm>>
        %dma_wait3A_159 = arith.constant 0 : i32
        %dma_wait3A_160 = arith.constant 0 : i32
        %dma_wait3A_161 = tpu.memref_slice %arg8[%dma_wait3A_159, %dma_wait3A_160] : memref<320x32xf32, #tpu.memory_space<vmem>> -> memref<200x32xf32, #tpu.memory_space<vmem>>
        tpu.wait_dma2 semaphore(%arg14 : memref<!tpu.dma_semaphore, #tpu.memory_space<semaphore_mem>>) src(%dma_wait3A_161 : memref<200x32xf32, #tpu.memory_space<vmem>>) dst(%dma_wait3A_158 : memref<200x32xf32, #tpu.memory_space<hbm>>)
      } else {
      }
    }
    %scan3A_11 = arith.constant 6 : i32
    return
  }
}

</mosaic_0001>

<sc_bundles>
// kernel: kernel.3.cloned.1.call-start
scs
__scs_entry_jumppad:
0x0: {  	(pc) =	sbr.rel $0x88, $3  }
0x1: {  	(tag) =	ssettag $0x0;
	lr =	simm.s32 $0x1  }
0x2: {  	[smem:$0x3F9F] =	sst lr;
	_ =	strace $0xD0000000  }
0x3: {  	_ = 	snop  }
0x4: {  	_ = 	snop  }
0x5: {  	_ = 	snop  }
0x6: {  	_ = 	snop  }
0x7: {  	_ = 	snop  }
__scs_overlays_trampoline_lowered:
0x8: {  	[smem:$0x3FAE] =	sst s0  }
0x9: {  	[smem:$0x3FAF] =	sst s1  }
0xa: {  	[smem:$0x3FB0] =	sst s2  }
0xb: {  	[smem:$0x3FB1] =	sst s3  }
0xc: {  	[smem:$0x3FB2] =	sst s4  }
0xd: {  	[smem:$0x3FB3] =	sst s5  }
0xe: {  	[smem:$0x3FB4] =	sst s6  }
0xf: {  	[smem:$0x3FB5] =	sst s7  }
0x10: {  	[smem:$0x3FB6] =	sst s8  }
0x11: {  	[smem:$0x3FB7] =	sst s9;
	s0 =	simm.s32 @!p0 $0x0  }
0x12: {  	s1 =	sld [smem:$0x3F9D];
	s0 =	simm.s32 @p0 $0x1  }
0x13: {  	[smem:$0x3FB8] =	sst s0;
	s0 =	simm.s32 @!p1 $0x0  }
0x14: {  	s2 =	sld [smem:$0x3F9C];
	s0 =	simm.s32 @p1 $0x1  }
0x15: {  	[smem:$0x3FB9] =	sst s0;
	s0 =	simm.s32 @!p2 $0x0  }
0x16: {  	s3 =	sld [smem:$0x3FDB];
	s0 =	simm.s32 @p2 $0x1  }
0x17: {  	s4 =	simm.s32 $0x1BF5;
	[smem:$0x3FBB] =	sst s0  }
0x18: {  	s0 =	sld [smem:$0x3F9E];
	_ =	swait.ge [sflag:s4], $0x0  }
0x19: {  	s7 =	sld [smem:$0x3F9F]  }
0x1a: {  	s8 =	sadd.s32 $0xFFFFE003, lr  }
0x1b: {  	s9 =	sadd.s32 $0xFFFFFEF7, lr;
	s5 =	simm.s32 $0xFFFFFFFF;
	p2 =	slt.u32 s8, $0xFFFFF086  }
0x1c: {  	p1 =	slt.u32 s9, $0xF7A;
	s5 =	simm.s32 @!p2 $0x0  }
0x1d: {  	s5 =	simm.s32 @p1 $0x1;
	p0 =	seq.s32 s7, s2  }
0x1e: {  	s7 =	smul.u32 @!p0 $0xF7A, s2;
	p2 =	seq.s32 @!p0 s5, $0x0  }
0x1f: {  	s9 =	smul.u32 $0xF7A, s1;
	s8 =	simm.s32 @!p0 $0x1BF5;
	p2 =	por !p2, p0  }
0x20: {  	[sflag:s8] =	ssyncset.s32 @!p0 $0xFFFFF086;
	s6 =	sadd.s32 @!p0 s3, s7;
	s7 =	simm.s32 @!p0 $0x108  }
0x21: {  	s3 =	sadd.s32 s3, s9;
	s6 =	sadd.s32 @!p0 $0x88, s6;
	s7 =	simm.s32 @p2 $0x1082  }
0x22: {  	[simem:s7], [sflag:s8] =	dma.local @!p0 [hbm:s6], $0xF7A  }
0x23: {  	s9 =	sor.u32 $0xD0000000, s2;
	s6 =	simm.s32 $0x108;
	_ =	swait.ge @!p0 [sflag:s8], $0x0  }
0x24: {  	s3 =	sadd.s32 $0x88, s3;
	s6 =	simm.s32 @!p1 $0x1082;
	[sflag:s4] =	ssyncset.s32 $0xFFFFF086  }
0x25: {  	[simem:s6], [sflag:s4] =	dma.local [hbm:s3], $0xF7A  }
0x26: {  	[smem:$0x3F9F] =	sst s1;
	(tag) =	ssettag s2;
	_ =	strace s9  }
0x27: {  	s1 =	sld [smem:$0x3FAF]  }
0x28: {  	s2 =	sld [smem:$0x3FB0]  }
0x29: {  	s4 =	sld [smem:$0x3FB2]  }
0x2a: {  	p0 =	seq.s32 s5, $0x0;
	s5 =	sld [smem:$0x3FB3]  }
0x2b: {  	s6 =	sld [smem:$0x3FB4]  }
0x2c: {  	s7 =	sld [smem:$0x3FB5]  }
0x2d: {  	s3 =	simm.s32 $0x108;
	s8 =	sld [smem:$0x3FB6]  }
0x2e: {  	s3 =	simm.s32 @!p0 $0x1082;
	s9 =	sld [smem:$0x3FB7]  }
0x2f: {  	lr =	sadd.s32 s0, s3;
	s0 =	sld [smem:$0x3FAE]  }
0x30: {  	s3 =	sld [smem:$0x3FB1]  }
0x31: {  	[smem:$0x3FBA] =	sst s10  }
0x32: {  	s10 =	sld [smem:$0x3FB8];
	_ =	sdelay $0x3  }
0x33: {  	p0 =	seq.s32 s10, $0x1;
	s10 =	sld [smem:$0x3FBA];
	_ =	sdelay $0x3  }
0x34: {  	[smem:$0x3FBA] =	sst s10  }
0x35: {  	s10 =	sld [smem:$0x3FB9];
	_ =	sdelay $0x3  }
0x36: {  	p1 =	seq.s32 s10, $0x1;
	s10 =	sld [smem:$0x3FBA];
	_ =	sdelay $0x3  }
0x37: {  	[smem:$0x3FBA] =	sst s10  }
0x38: {  	s10 =	sld [smem:$0x3FBB]  }
0x39: {  	_ = 	snop;
	(pc) =	sbr.ind lr, $3  }
0x3a: {  	_ = 	snop  }
0x3b: {  	_ = 	snop  }
0x3c: {  	p2 =	seq.s32 s10, $0x1;
	s10 =	sld [smem:$0x3FBA]  }
0x3d: {  	_ =	shalt  }
0x3e: {  	_ =	shalt  }
0x3f: {  	_ =	shalt  }
0x40: {  	_ =	shalt  }
0x41: {  	_ =	shalt  }
0x42: {  	_ =	shalt  }
0x43: {  	_ =	shalt  }
0x44: {  	_ =	shalt  }
0x45: {  	_ =	shalt  }
0x46: {  	_ =	shalt  }
0x47: {  	_ =	shalt  }
0x48: {  	_ =	shalt  }
0x49: {  	_ =	shalt  }
0x4a: {  	_ =	shalt  }
0x4b: {  	_ =	shalt  }
0x4c: {  	_ =	shalt  }
0x4d: {  	_ =	shalt  }
0x4e: {  	_ =	shalt  }
0x4f: {  	_ =	shalt  }
0x50: {  	_ =	shalt  }
0x51: {  	_ =	shalt  }
0x52: {  	_ =	shalt  }
0x53: {  	_ =	shalt  }
0x54: {  	_ =	shalt  }
0x55: {  	_ =	shalt  }
0x56: {  	_ =	shalt  }
0x57: {  	_ =	shalt  }
0x58: {  	_ =	shalt  }
0x59: {  	_ =	shalt  }
0x5a: {  	_ =	shalt  }
0x5b: {  	_ =	shalt  }
0x5c: {  	_ =	shalt  }
0x5d: {  	_ =	shalt  }
0x5e: {  	_ =	shalt  }
0x5f: {  	_ =	shalt  }
0x60: {  	_ =	shalt  }
0x61: {  	_ =	shalt  }
0x62: {  	_ =	shalt  }
0x63: {  	_ =	shalt  }
0x64: {  	_ =	shalt  }
0x65: {  	_ =	shalt  }
0x66: {  	_ =	shalt  }
0x67: {  	_ =	shalt  }
0x68: {  	_ =	shalt  }
0x69: {  	_ =	shalt  }
0x6a: {  	_ =	shalt  }
0x6b: {  	_ =	shalt  }
0x6c: {  	_ =	shalt  }
0x6d: {  	_ =	shalt  }
0x6e: {  	_ =	shalt  }
0x6f: {  	_ =	shalt  }
0x70: {  	_ =	shalt  }
0x71: {  	_ =	shalt  }
0x72: {  	_ =	shalt  }
0x73: {  	_ =	shalt  }
0x74: {  	_ =	shalt  }
0x75: {  	_ =	shalt  }
0x76: {  	_ =	shalt  }
0x77: {  	_ =	shalt  }
0x78: {  	_ =	shalt  }
0x79: {  	_ =	shalt  }
0x7a: {  	_ =	shalt  }
0x7b: {  	_ =	shalt  }
0x7c: {  	_ =	shalt  }
0x7d: {  	_ =	shalt  }
0x7e: {  	_ =	shalt  }
0x7f: {  	_ =	shalt  }
0x80: {  	_ =	shalt  }
0x81: {  	_ =	shalt  }
0x82: {  	_ =	shalt  }
0x83: {  	_ =	shalt  }
0x84: {  	_ =	shalt  }
0x85: {  	_ =	shalt  }
0x86: {  	_ =	shalt  }
0x87: {  	_ =	shalt  }
.Lfunc_end0:
.L_simem_size_0:
called_computation_lowered:
.L_overlay_start_0:
0x88: {  	s2 =	sld [smem:$0x3FD9]  }
0x89: {  	s3 =	sld [smem:$0x3FFE];
	_ =	sdelay $0x1  }
0x8a: {  	s1 =	srdreg.scid  }
0x8b: {  	s0 =	sand.u32 $0x1, s1  }
0x8c: {  	s14 =	sshll.u32 s0, $0xA;
	s2 =	sadd.s32 s3, s2  }
0x8d: {  	s2 =	sadd.s32 s2, s14  }
0x8e: {  	[smem:$0x3FC6] =	sst s2  }
0x8f: {  	_ = 	snop  }
0x90: {  	s2 =	sld [smem:$0x3FD0];
	_ =	sdelay $0x2  }
0x91: {  	s15 =	simm.s32 $0xA;
	s4 =	simm.s32 $0x10  }
0x92: {  	[smem:s4], [sflag:s15] =	dma.local [hbm:s2], $0x1  }
0x93: {  	_ =	swait.eq [sflag:s15], $0x1  }
0x94: {  	[sflag:s15] =	ssyncset.done $0x0  }
0x95: {  	[sflag:s15] =	ssyncadd.s32 $0xFFFFFFFF  }
0x96: {  	s16 =	sld [smem:$0x11];
	(tm) =	ssettm $0x1  }
0x97: {  	s17 =	sld [smem:$0x3FFB];
	_ =	sdelay $0x3  }
0x98: {  	_ =	strace s17  }
0x99: {  	s3 =	sld [smem:$0x3FFC];
	_ =	sdelay $0x3  }
0x9a: {  	_ =	strace s3  }
0x9b: {  	s3 =	sld [smem:$0x3FFD];
	_ =	sdelay $0x3  }
0x9c: {  	_ =	strace s3  }
0x9d: {  	_ =	strace $0x8FFFFFFF  }
0x9e: {  	s18 =	sld [smem:$0x3FDB];
	_ =	sdelay $0x1  }
0x9f: {  	s19 =	simm.s32 $_scs_section_size  }
0xa0: {  	s5 =	simm.s32 $_size__tile_overlayer_lowered;
	s6 =	simm.s32 $_tile_overlayer_lowered  }
0xa1: {  	s22 =	simm.s32 $0x1BFF;
	s21 =	sshll.u32 s6, $0x1;
	s3 =	sadd.s32 s19, s18  }
0xa2: {  	s7 =	simm.s32 $0x0;
	s20 =	sshll.u32 s5, $0x1;
	s5 =	sadd.s32 s21, s3  }
0xa3: {  	[timem:s7], [sflag:s22] =	dma.local [hbm:s5], s20  }
0xa4: {  	_ =	swait.ge [sflag:s22], s20  }
0xa5: {  	s4 =	ssub.s32 $0x0, s20;
	[sflag:s22] =	ssyncset.done $0x0  }
0xa6: {  	[sflag:s22] =	ssyncadd.s32 s4;
	_ =	sdelay $0x1  }
0xa7: {  	s23 =	simm.s32 $0x1B8B  }
0xa8: {  	_ =	swait.ge [sflag:s23], $0x1  }
0xa9: {  	[sflag:s23] =	ssyncset.done $0x0  }
0xaa: {  	s25 =	simm.s32 $0x1B8E;
	s24 =	sld [smem:$0x3FFE];
	[sflag:s23] =	ssyncadd.s32 $0xFFFFFFFF  }
0xab: {  	s26 =	simm.s32 $execute0_lowered;
	[smem:$0x3FD2] =	sst s25  }
0xac: {  	s5 =	sshll.u32 s26, $0x1;
	_ =	strace $0x80000046;
	[dreg:$0x1] =	wrdreg $0xFFFFFFFF  }
0xad: {  	s28 =	simm.s32 $_size_execute0_lowered;
	s3 =	sadd.s32 s3, s5;
	[dreg:$0x0] =	wrdreg $0x0  }
0xae: {  	s5 =	sshll.u32 s28, $0x1;
	[dreg:$0x2] =	wrdreg s3  }
0xaf: {  	[dreg:$0x3] =	wrdreg s5  }
0xb0: {  	[dreg:$0x4] =	wrdreg $0xC0  }
0xb1: {  	_ =	task [dreg:s7], $0x5FFFF  }
0xb2: {  	[dreg:$0x1] =	wrdreg $0xFFFFFFFF  }
0xb3: {  	[dreg:$0x0] =	wrdreg $0x60  }
0xb4: {  	[dreg:$0x2] =	wrdreg s16  }
0xb5: {  	[dreg:$0x3] =	wrdreg s24  }
0xb6: {  	[dreg:$0x4] =	wrdreg $0x9  }
0xb7: {  	_ =	task.clear_ibuf [dreg:s7], $0x5FFFF;
	_ =	strace $0x90000046  }
0xb8: {  	s29 =	simm.s32 $0x9;
	_ =	strace $0x80000048  }
0xb9: {  	_ =	swait.ge [sflag:s29], $0x1  }
0xba: {  	[sflag:s29] =	ssyncadd.s32 $0xFFFFFFFF  }
0xbb: {  	_ =	strace $0x90000048  }
0xbc: {  	_ =	sfence  }
0xbd: {  	s30 =	sld [smem:$0x0];
	_ =	sdelay $0x2  }
0xbe: {  	s31 =	sshll.u32 s1, $0xD;
	s1 =	sshrl.u32 s1, $0x2  }
0xbf: {  	s3 =	sand.u32 $0x4000, s31;
	s1 =	sadd.s32 s1, s30  }
0xc0: {  	s0 =	sor.u32 s3, s0;
	s1 =	sshll.u32 s1, $0x11  }
0xc1: {  	s0 =	sor.u32 s1, s0  }
0xc2: {  	s0 =	sadd.s32 $0x8F2B, s0  }
0xc3: {  	[sflag:s0] =	ssyncadd.remote.s32 $0x1  }
0xc4: {  	_ =	sfence.sel $0xFFFF  }
0xc5: {  	[dreg:$0x0] =	wrdreg $0xFFFFFFFF;
	(pc) =	sbr.abs _section_cstart, $3  }
0xc6: {  	[dreg:$0x1] =	wrdreg $0xFFFFFFFF  }
0xc7: {  	_ =	task.clear_ibuf [dreg:s7], $0x2FFFF;
	_ =	strace $0x9FFFFFFF  }
0xc8: {  	(tm) =	ssettm $0x7FFFFFFF  }
0xc9: {  	_ =	shalt  }
tec
execute0_lowered:
.L_overlay_start_1:
0x0: {  	(tag) =	ssettag $0x1  }
0x1: {  	s11 =	rddreg [dreg:$0x0]  }
0x2: {  	s3 =	rddreg [dreg:$0x1]  }
0x3: {  	s2 =	simm.s32 $0x0;
	s0 =	stileid.u32;
	s4 =	srdreg.scid  }
0x4: {  	s18 =	simm.s32 $0x4;
	s19 =	simm.s32 $0x5;
	s20 =	simm.s32 $0x6  }
0x5: {  	[smem:$0x7FF] =	sst s2;
	s6 =	sand.u32 $0x1, s4;
	s12 =	smul.u32 $0x1900, s0  }
0x6: {  	s24 =	sshll.u32 s0, $0x1;
	s14 =	sadd.s32 $0x10C9600, s3;
	s15 =	smul.u32 $0x2800, s0  }
0x7: {  	s9 =	sadd.s32 $0x800, s3;
	_ =	strace $0x80000047;
	s16 =	smul.u32 $0x1400, s6  }
0x8: {  	s13 =	sor.u32 s6, s24;
	s25 =	ssub.s32 $0x2, s6;
	s17 =	smul.u32 $0xC80, s6  }
0x9: {  	s5 =	smul.u32 $0x1400, s13;
	s21 =	sor.u32 $0xC20, s13;
	s10 =	sadd.s32 s12, s3  }
0xa: {  	s7 =	sshrl.u32 s25, $0x1;
	s31 =	sadd.s32 s15, s14;
	s11 =	sadd.s32 s12, s11  }
0xb: {  	s12 =	sor.u32 $0x40, s13;
	s13 =	simm.s32 $0xA000;
	s8 =	smul.u32 $0x1400, s21  }
0xc: {  	s26 =	ssub.s32 s25, s7;
	s10 =	sadd.s32 s17, s10;
	s11 =	sadd.s32 s17, s11  }
0xd: {  	s17 =	simm.s32 $0x3;
	p0 =	sgt.u32 s21, $0xC34;
	s21 =	simm.s32 $0x0  }
0xe: {  	s28 =	smax.u32 s26, $0x1;
	s29 =	sor.u32 $0xF00000, s5;
	s10 =	sadd.s32 $0xF42C00, s10  }
0xf: {  	[dreg:$0x3] =	wrdreg s28;
	s30 =	sadd.s32 s9, s29;
	s5 =	sadd.s32 s9, s8  }
0x10: {  	s6 =	sadd.s32 s14, s29;
	s7 =	sadd.s32 s14, s8;
	s8 =	sadd.s32 s16, s31  }
0x11: {  	s9 =	sadd.s32 s15, s9;
	s14 =	simm.s32 $0x14000;
	s15 =	simm.s32 $0x1  }
0x12: {  	[dreg:$0x4] =	wrdreg s30;
	s9 =	sadd.s32 s16, s9;
	s16 =	simm.s32 $0x2  }
.LBB2_1:
0x13: {  	s22 =	sadd.s32 $0x0, s9  }
0x14: {  	[tilespmem:s2], [sflag:$0x1] =	stream.linear.gather [hbm4b:s22+s2], $0xA000, $0x38;
	[tilespmem:$0x1E000] =	vst v63  }
0x15: {  	s23 =	sadd.s32 $0x28000, s22  }
0x16: {  	[tilespmem:s13], [sflag:$0x2] =	stream.linear.gather [hbm4b:s23+s2], $0xA000, $0x38;
	[tilespmem:$0x1E000] =	vst v63  }
0x17: {  	s22 =	sadd.s32 $0x50000, s22  }
0x18: {  	[tilespmem:s14], [sflag:$0x3] =	stream.linear.gather [hbm4b:s22+s2], $0xA000, $0x38;
	[tilespmem:$0x1E000] =	vst v63  }
0x19: {  	_ =	swait.ge [sflag:s15], $0xA000  }
0x1a: {  	[sflag:s15] =	ssyncset.done $0x0  }
0x1b: {  	s30 =	sadd.s32 $0x0, s8;
	[sflag:s15] =	ssyncadd.s32 $0xFFFF6000  }
0x1c: {  	[hbm4b:s30+s2] =	stream.linear.scatter [tilespmem:s2], [sflag:$0x4], $0xA000, $0x38;
	[tilespmem:$0x1E000] =	vst v63  }
0x1d: {  	_ =	swait.ge [sflag:s16], $0xA000  }
0x1e: {  	[sflag:s16] =	ssyncset.done $0x0  }
0x1f: {  	s31 =	sadd.s32 $0x28000, s30;
	[sflag:s16] =	ssyncadd.s32 $0xFFFF6000  }
0x20: {  	[hbm4b:s31+s2] =	stream.linear.scatter [tilespmem:s13], [sflag:$0x5], $0xA000, $0x38;
	[tilespmem:$0x1E000] =	vst v63  }
0x21: {  	_ =	swait.ge [sflag:s17], $0xA000  }
0x22: {  	[sflag:s17] =	ssyncset.done $0x0  }
0x23: {  	s22 =	sadd.s32 $0x50000, s30;
	[sflag:s17] =	ssyncadd.s32 $0xFFFF6000  }
0x24: {  	[hbm4b:s22+s2] =	stream.linear.scatter [tilespmem:s14], [sflag:$0x6], $0xA000, $0x38;
	[tilespmem:$0x1E000] =	vst v63  }
0x25: {  	_ =	swait.ge [sflag:s18], $0xA000  }
0x26: {  	[sflag:s18] =	ssyncset.done $0x0  }
0x27: {  	[sflag:s18] =	ssyncadd.s32 $0xFFFF6000  }
0x28: {  	_ =	swait.ge [sflag:s19], $0xA000  }
0x29: {  	[sflag:s19] =	ssyncset.done $0x0  }
0x2a: {  	[sflag:s19] =	ssyncadd.s32 $0xFFFF6000  }
0x2b: {  	_ =	swait.ge [sflag:s20], $0xA000  }
0x2c: {  	s23 =	simm.s32 $0xF0000;
	s22 =	simm.s32 $0x78000;
	[sflag:s20] =	ssyncset.done $0x0  }
.LBB2_2:
0x2d: {  	s24 =	sadd.s32 s22, s9  }
0x2e: {  	[sflag:s20] =	ssyncadd.s32 $0xFFFF6000;
	s25 =	smov.u32 s23;
	s26 =	sadd.s32 $0x78000, s23  }
0x2f: {  	[tilespmem:s2], [sflag:$0x1] =	stream.linear.gather [hbm4b:s24+s2], $0xA000, $0x38;
	[tilespmem:$0x1E000] =	vst v63  }
0x30: {  	p1 =	sne.s32 s23, $0xE88000;
	s23 =	sadd.s32 $0x28000, s24  }
0x31: {  	[tilespmem:s13], [sflag:$0x2] =	stream.linear.gather [hbm4b:s23+s2], $0xA000, $0x38;
	[tilespmem:$0x1E000] =	vst v63  }
0x32: {  	s23 =	sadd.s32 $0x50000, s24  }
0x33: {  	[tilespmem:s14], [sflag:$0x3] =	stream.linear.gather [hbm4b:s23+s2], $0xA000, $0x38;
	[tilespmem:$0x1E000] =	vst v63  }
0x34: {  	_ =	swait.ge [sflag:s15], $0xA000  }
0x35: {  	[sflag:s15] =	ssyncset.done $0x0  }
0x36: {  	s23 =	sadd.s32 s22, s8;
	s22 =	smov.u32 s25;
	[sflag:s15] =	ssyncadd.s32 $0xFFFF6000  }
0x37: {  	[hbm4b:s23+s2] =	stream.linear.scatter [tilespmem:s2], [sflag:$0x4], $0xA000, $0x38;
	[tilespmem:$0x1E000] =	vst v63  }
0x38: {  	_ =	swait.ge [sflag:s16], $0xA000  }
0x39: {  	[sflag:s16] =	ssyncset.done $0x0  }
0x3a: {  	s24 =	sadd.s32 $0x28000, s23;
	[sflag:s16] =	ssyncadd.s32 $0xFFFF6000  }
0x3b: {  	[hbm4b:s24+s2] =	stream.linear.scatter [tilespmem:s13], [sflag:$0x5], $0xA000, $0x38;
	[tilespmem:$0x1E000] =	vst v63  }
0x3c: {  	_ =	swait.ge [sflag:s17], $0xA000  }
0x3d: {  	[sflag:s17] =	ssyncset.done $0x0  }
0x3e: {  	s23 =	sadd.s32 $0x50000, s23;
	[sflag:s17] =	ssyncadd.s32 $0xFFFF6000  }
0x3f: {  	[hbm4b:s23+s2] =	stream.linear.scatter [tilespmem:s14], [sflag:$0x6], $0xA000, $0x38;
	[tilespmem:$0x1E000] =	vst v63  }
0x40: {  	_ =	swait.ge [sflag:s18], $0xA000  }
0x41: {  	[sflag:s18] =	ssyncset.done $0x0  }
0x42: {  	[sflag:s18] =	ssyncadd.s32 $0xFFFF6000  }
.Ltmp0:
0x43: {  	_ =	swait.ge [sflag:s19], $0xA000;
	(pc) =	sbr.rel @p1 .LBB2_2-.Ltmp0, $4  }
0x44: {  	[sflag:s19] =	ssyncset.done $0x0  }
0x45: {  	[sflag:s19] =	ssyncadd.s32 $0xFFFF6000  }
0x46: {  	_ =	swait.ge [sflag:s20], $0xA000  }
0x47: {  	s23 =	smov.u32 s26;
	[sflag:s20] =	ssyncset.done $0x0  }
0x48: {  	s23 =	sadd.s32 s22, s9;
	[sflag:s20] =	ssyncadd.s32 $0xFFFF6000  }
0x49: {  	[tilespmem:s2], [sflag:$0x1] =	stream.linear.gather [hbm4b:s23+s2], $0xA000, $0x38;
	[tilespmem:$0x1E000] =	vst v63  }
0x4a: {  	s24 =	sadd.s32 $0x28000, s23  }
0x4b: {  	[tilespmem:s13], [sflag:$0x2] =	stream.linear.gather [hbm4b:s24+s2], $0xA000, $0x38;
	[tilespmem:$0x1E000] =	vst v63  }
0x4c: {  	s23 =	sadd.s32 $0x50000, s23  }
0x4d: {  	[tilespmem:s14], [sflag:$0x3] =	stream.linear.gather [hbm4b:s23+s2], $0xA000, $0x38;
	[tilespmem:$0x1E000] =	vst v63  }
0x4e: {  	_ =	swait.ge [sflag:s15], $0xA000  }
0x4f: {  	[sflag:s15] =	ssyncset.done $0x0  }
0x50: {  	s26 =	sadd.s32 s22, s8;
	[sflag:s15] =	ssyncadd.s32 $0xFFFF6000  }
0x51: {  	[hbm4b:s26+s2] =	stream.linear.scatter [tilespmem:s2], [sflag:$0x4], $0xA000, $0x38;
	[tilespmem:$0x1E000] =	vst v63  }
0x52: {  	_ =	swait.ge [sflag:s16], $0xA000  }
0x53: {  	[sflag:s16] =	ssyncset.done $0x0  }
0x54: {  	s29 =	sadd.s32 $0x28000, s26;
	[sflag:s16] =	ssyncadd.s32 $0xFFFF6000  }
0x55: {  	[hbm4b:s29+s2] =	stream.linear.scatter [tilespmem:s13], [sflag:$0x5], $0xA000, $0x38;
	[tilespmem:$0x1E000] =	vst v63  }
0x56: {  	_ =	swait.ge [sflag:s17], $0xA000  }
0x57: {  	[sflag:s17] =	ssyncset.done $0x0  }
0x58: {  	s22 =	sadd.s32 $0x50000, s26;
	[sflag:s17] =	ssyncadd.s32 $0xFFFF6000  }
0x59: {  	[hbm4b:s22+s2] =	stream.linear.scatter [tilespmem:s14], [sflag:$0x6], $0xA000, $0x38;
	[tilespmem:$0x1E000] =	vst v63  }
0x5a: {  	_ =	swait.ge [sflag:s18], $0xA000  }
0x5b: {  	[sflag:s18] =	ssyncset.done $0x0  }
0x5c: {  	[sflag:s18] =	ssyncadd.s32 $0xFFFF6000  }
0x5d: {  	_ =	swait.ge [sflag:s19], $0xA000  }
0x5e: {  	[sflag:s19] =	ssyncset.done $0x0  }
0x5f: {  	[sflag:s19] =	ssyncadd.s32 $0xFFFF6000  }
0x60: {  	_ =	swait.ge [sflag:s20], $0xA000  }
0x61: {  	[sflag:s20] =	ssyncset.done $0x0  }
0x62: {  	s22 =	simm.s32 @p0 $0x1;
	s0 =	rddreg [dreg:$0x4];
	[sflag:s20] =	ssyncadd.s32 $0xFFFF6000  }
0x63: {  	[tilespmem:s2], [sflag:$0x1] =	stream.linear.gather [hbm4b:s0+s2], $0xA000, $0x38;
	[tilespmem:$0x1E000] =	vst v63  }
0x64: {  	_ =	swait.ge @p0 [sflag:s22], $0xA000  }
0x65: {  	[sflag:s22] =	ssyncset.done @p0 $0x0  }
0x66: {  	[sflag:s22] =	ssyncadd.s32 @p0 $0xFFFF6000;
	s22 =	simm.s32 @p0 $0x0  }
0x67: {  	[hbm4b:s6+s22] =	stream.linear.scatter @p0 [tilespmem:s22], [sflag:$0x4], $0xA000, $0x38;
	[tilespmem:$0x1E000] =	vst v63  }
0x68: {  	s24 =	simm.s32 @!p0 $0x1;
	s23 =	simm.s32 @!p0 $0xA000;
	s22 =	simm.s32 @!p0 $0x0  }
0x69: {  	[tilespmem:s23], [sflag:$0x2] =	stream.linear.gather @!p0 [hbm4b:s5+s22], $0xA000, $0x38;
	[tilespmem:$0x1E000] =	vst v63  }
0x6a: {  	_ =	swait.ge @!p0 [sflag:s24], $0xA000  }
0x6b: {  	[sflag:s24] =	ssyncset.done @!p0 $0x0  }
0x6c: {  	[sflag:s24] =	ssyncadd.s32 @!p0 $0xFFFF6000;
	s24 =	simm.s32 @!p0 $0x2  }
0x6d: {  	[hbm4b:s6+s22] =	stream.linear.scatter @!p0 [tilespmem:s22], [sflag:$0x4], $0xA000, $0x38;
	[tilespmem:$0x1E000] =	vst v63  }
0x6e: {  	_ =	swait.ge @!p0 [sflag:s24], $0xA000  }
0x6f: {  	[sflag:s24] =	ssyncset.done @!p0 $0x0  }
0x70: {  	[sflag:s24] =	ssyncadd.s32 @!p0 $0xFFFF6000  }
0x71: {  	[hbm4b:s7+s22] =	stream.linear.scatter @!p0 [tilespmem:s23], [sflag:$0x5], $0xA000, $0x38;
	[tilespmem:$0x1E000] =	vst v63  }
0x72: {  	_ =	swait.ge [sflag:s18], $0xA000  }
0x73: {  	s30 =	sadd.s32 $0xFFFFFFC0, s12;
	s31 =	sadd.s32 $0xFFFFFFE0, s12;
	[sflag:s18] =	ssyncset.done $0x0  }
0x74: {  	p4 =	sgt.u32 s12, $0x1F3;
	s22 =	simm.s32 @!p0 $0x5;
	[sflag:s18] =	ssyncadd.s32 $0xFFFF6000  }
0x75: {  	p3 =	sgt.u32 s30, $0x1F3;
	p1 =	sgt.u32 s31, $0x1F3;
	_ =	swait.ge @!p0 [sflag:s22], $0xA000  }
0x76: {  	s25 =	simm.s32 @!p1 $0x0;
	s24 =	simm.s32 @!p3 $0x0;
	[sflag:s22] =	ssyncset.done @!p0 $0x0  }
0x77: {  	s23 =	sadd.s32 @!p1 $0x0, s11;
	[sflag:s22] =	ssyncadd.s32 @!p0 $0xFFFF6000;
	s22 =	sadd.s32 @!p3 $0x0, s11  }
0x78: {  	[tilespmem:s24], [sflag:$0x1] =	stream.linear.gather @!p3 [hbm4b:s22+s24], $0x6400, $0x38;
	[tilespmem:$0x1E000] =	vst v63  }
0x79: {  	s26 =	simm.s32 @!p1 $0xA000;
	s23 =	sadd.s32 @!p1 $0x19000, s23;
	s22 =	sadd.s32 @!p4 $0x0, s11  }
0x7a: {  	[tilespmem:s26], [sflag:$0x2] =	stream.linear.gather @!p1 [hbm4b:s23+s25], $0x6400, $0x38;
	[tilespmem:$0x1E000] =	vst v63  }
0x7b: {  	s28 =	simm.s32 @!p4 $0x14000;
	s22 =	sadd.s32 @!p4 $0x32000, s22;
	s23 =	simm.s32 @!p4 $0x0  }
0x7c: {  	[tilespmem:s28], [sflag:$0x3] =	stream.linear.gather @!p4 [hbm4b:s22+s23], $0x6400, $0x38;
	[tilespmem:$0x1E000] =	vst v63  }
0x7d: {  	s22 =	simm.s32 @!p3 $0x1  }
0x7e: {  	_ =	swait.ge @!p3 [sflag:s22], $0x6400  }
0x7f: {  	[sflag:s22] =	ssyncset.done @!p3 $0x0  }
0x80: {  	[sflag:s22] =	ssyncadd.s32 @!p3 $0xFFFF9C00;
	s22 =	sadd.s32 @!p3 $0x0, s10  }
0x81: {  	[hbm4b:s22+s24] =	stream.linear.scatter @!p3 [tilespmem:s24], [sflag:$0x4], $0x6400, $0x38;
	[tilespmem:$0x1E000] =	vst v63  }
0x82: {  	s22 =	simm.s32 @!p1 $0x2  }
0x83: {  	_ =	swait.ge @!p1 [sflag:s22], $0x6400  }
0x84: {  	p2 =	por p4, p4;
	s24 =	sadd.s32 @!p1 $0x0, s10;
	[sflag:s22] =	ssyncset.done @!p1 $0x0  }
0x85: {  	s24 =	sadd.s32 @!p1 $0x19000, s24;
	[sflag:s22] =	ssyncadd.s32 @!p1 $0xFFFF9C00;
	s22 =	simm.s32 @!p2 $0x3  }
0x86: {  	[hbm4b:s24+s25] =	stream.linear.scatter @!p1 [tilespmem:s26], [sflag:$0x5], $0x6400, $0x38;
	[tilespmem:$0x1E000] =	vst v63  }
0x87: {  	_ =	swait.ge @!p2 [sflag:s22], $0x6400  }
0x88: {  	s24 =	sadd.s32 @!p4 $0x0, s10;
	[sflag:s22] =	ssyncset.done @!p2 $0x0  }
0x89: {  	s25 =	simm.s32 @!p3 $0x4;
	s24 =	sadd.s32 @!p4 $0x32000, s24;
	[sflag:s22] =	ssyncadd.s32 @!p2 $0xFFFF9C00  }
0x8a: {  	[hbm4b:s24+s23] =	stream.linear.scatter @!p2 [tilespmem:s28], [sflag:$0x6], $0x6400, $0x38;
	[tilespmem:$0x1E000] =	vst v63  }
0x8b: {  	_ =	swait.ge @!p3 [sflag:s25], $0x6400  }
0x8c: {  	[sflag:s25] =	ssyncset.done @!p3 $0x0  }
0x8d: {  	s26 =	simm.s32 @!p1 $0x5;
	s22 =	simm.s32 $0x4B000;
	[sflag:s25] =	ssyncadd.s32 @!p3 $0xFFFF9C00  }
0x8e: {  	s24 =	simm.s32 $0x96000;
	s23 =	sadd.s32 $0x60, s12;
	_ =	swait.ge @!p1 [sflag:s26], $0x6400  }
0x8f: {  	s28 =	sadd.s32 $0xFFFFFFC0, s23;
	s25 =	simm.s32 @!p4 $0x6;
	[sflag:s26] =	ssyncset.done @!p1 $0x0  }
.LBB2_4:
0x90: {  	p3 =	sgt.u32 s28, $0x1F3  }
0x91: {  	s28 =	sadd.s32 $0xFFFFFFE0, s23;
	[sflag:s26] =	ssyncadd.s32 @!p1 $0xFFFF9C00;
	s26 =	smov.u32 s24  }
0x92: {  	s29 =	sadd.s32 @!p3 s22, s11;
	s30 =	simm.s32 @!p3 $0x0;
	_ =	swait.ge @!p2 [sflag:s25], $0x6400  }
0x93: {  	s24 =	sadd.s32 $0x4B000, s24;
	p1 =	sgt.u32 s28, $0x1F3;
	[sflag:s25] =	ssyncset.done @!p2 $0x0  }
0x94: {  	p4 =	sgt.u32 s23, $0x1F3;
	s28 =	sadd.s32 @!p1 s22, s11;
	s31 =	sadd.s32 @!p1 s22, s10  }
0x95: {  	s0 =	sadd.s32 @!p4 s22, s11;
	s28 =	sadd.s32 @!p1 $0x19000, s28;
	[sflag:s25] =	ssyncadd.s32 @!p2 $0xFFFF9C00  }
0x96: {  	[tilespmem:s30], [sflag:$0x1] =	stream.linear.gather @!p3 [hbm4b:s29+s30], $0x6400, $0x38;
	[tilespmem:$0x1E000] =	vst v63  }
0x97: {  	s1 =	simm.s32 @!p1 $0xA000;
	s0 =	sadd.s32 @!p4 $0x32000, s0;
	s29 =	simm.s32 @!p1 $0x0  }
0x98: {  	[tilespmem:s1], [sflag:$0x2] =	stream.linear.gather @!p1 [hbm4b:s28+s29], $0x6400, $0x38;
	[tilespmem:$0x1E000] =	vst v63  }
0x99: {  	s3 =	simm.s32 @!p4 $0x14000;
	s25 =	simm.s32 @!p3 $0x1;
	s28 =	simm.s32 @!p4 $0x0  }
0x9a: {  	[tilespmem:s3], [sflag:$0x3] =	stream.linear.gather @!p4 [hbm4b:s0+s28], $0x6400, $0x38;
	[tilespmem:$0x1E000] =	vst v63  }
0x9b: {  	s0 =	sadd.s32 @!p1 $0x19000, s31;
	s31 =	sadd.s32 @!p4 s22, s10;
	_ =	swait.ge @!p3 [sflag:s25], $0x6400  }
0x9c: {  	s4 =	simm.s32 @!p1 $0x2;
	s22 =	sadd.s32 @!p3 s22, s10;
	[sflag:s25] =	ssyncset.done @!p3 $0x0  }
0x9d: {  	s31 =	sadd.s32 @!p4 $0x32000, s31;
	[sflag:s25] =	ssyncadd.s32 @!p3 $0xFFFF9C00;
	s25 =	simm.s32 @!p4 $0x6  }
0x9e: {  	[hbm4b:s22+s30] =	stream.linear.scatter @!p3 [tilespmem:s30], [sflag:$0x4], $0x6400, $0x38;
	[tilespmem:$0x1E000] =	vst v63  }
0x9f: {  	p5 =	sne.s32 s24, $0x1C2000;
	s22 =	smov.u32 s26;
	_ =	swait.ge @!p1 [sflag:s4], $0x6400  }
0xa0: {  	p2 =	por p4, p4;
	[sflag:s4] =	ssyncset.done @!p1 $0x0  }
0xa1: {  	[sflag:s4] =	ssyncadd.s32 @!p1 $0xFFFF9C00;
	s4 =	simm.s32 @!p2 $0x3  }
0xa2: {  	[hbm4b:s0+s29] =	stream.linear.scatter @!p1 [tilespmem:s1], [sflag:$0x5], $0x6400, $0x38;
	[tilespmem:$0x1E000] =	vst v63  }
0xa3: {  	_ =	swait.ge @!p2 [sflag:s4], $0x6400  }
0xa4: {  	s0 =	simm.s32 @!p3 $0x4;
	[sflag:s4] =	ssyncset.done @!p2 $0x0  }
0xa5: {  	[sflag:s4] =	ssyncadd.s32 @!p2 $0xFFFF9C00  }
0xa6: {  	[hbm4b:s31+s28] =	stream.linear.scatter @!p2 [tilespmem:s3], [sflag:$0x6], $0x6400, $0x38;
	[tilespmem:$0x1E000] =	vst v63  }
.Ltmp1:
0xa7: {  	_ =	swait.ge @!p3 [sflag:s0], $0x6400;
	(pc) =	sbr.rel @p5 .LBB2_4-.Ltmp1, $4  }
0xa8: {  	s26 =	simm.s32 @!p1 $0x5;
	[sflag:s0] =	ssyncset.done @!p3 $0x0  }
0xa9: {  	[sflag:s0] =	ssyncadd.s32 @!p3 $0xFFFF9C00  }
0xaa: {  	s23 =	sadd.s32 $0x60, s23;
	_ =	swait.ge @!p1 [sflag:s26], $0x6400  }
0xab: {  	s28 =	sadd.s32 $0xFFFFFFC0, s23;
	[sflag:s26] =	ssyncset.done @!p1 $0x0  }
0xac: {  	p3 =	sgt.u32 s28, $0x1F3  }
0xad: {  	s0 =	sadd.s32 $0xFFFFFFE0, s23;
	[sflag:s26] =	ssyncadd.s32 @!p1 $0xFFFF9C00;
	p4 =	sgt.u32 s23, $0x1F3  }
0xae: {  	s1 =	sadd.s32 @!p3 s22, s11;
	s3 =	simm.s32 @!p3 $0x0;
	_ =	swait.ge @!p2 [sflag:s25], $0x6400  }
0xaf: {  	p1 =	sgt.u32 s0, $0x1F3;
	s4 =	sadd.s32 @!p4 s22, s11;
	[sflag:s25] =	ssyncset.done @!p2 $0x0  }
0xb0: {  	s24 =	simm.s32 @!p4 $0x14000;
	s0 =	sadd.s32 @!p1 s22, s11;
	[sflag:s25] =	ssyncadd.s32 @!p2 $0xFFFF9C00  }
0xb1: {  	[tilespmem:s3], [sflag:$0x1] =	stream.linear.gather @!p3 [hbm4b:s1+s3], $0x6400, $0x38;
	[tilespmem:$0x1E000] =	vst v63  }
0xb2: {  	s23 =	simm.s32 @!p1 $0xA000;
	s0 =	sadd.s32 @!p1 $0x19000, s0;
	s1 =	simm.s32 @!p1 $0x0  }
0xb3: {  	[tilespmem:s23], [sflag:$0x2] =	stream.linear.gather @!p1 [hbm4b:s0+s1], $0x6400, $0x38;
	[tilespmem:$0x1E000] =	vst v63  }
0xb4: {  	s4 =	sadd.s32 @!p4 $0x32000, s4;
	s25 =	simm.s32 @!p3 $0x1;
	s0 =	simm.s32 @!p4 $0x0  }
0xb5: {  	[tilespmem:s24], [sflag:$0x3] =	stream.linear.gather @!p4 [hbm4b:s4+s0], $0x6400, $0x38;
	[tilespmem:$0x1E000] =	vst v63  }
0xb6: {  	_ =	swait.ge @!p3 [sflag:s25], $0x6400  }
0xb7: {  	[sflag:s25] =	ssyncset.done @!p3 $0x0  }
0xb8: {  	s26 =	simm.s32 @!p1 $0x2;
	s4 =	sadd.s32 @!p3 s22, s10;
	[sflag:s25] =	ssyncadd.s32 @!p3 $0xFFFF9C00  }
0xb9: {  	[hbm4b:s4+s3] =	stream.linear.scatter @!p3 [tilespmem:s3], [sflag:$0x4], $0x6400, $0x38;
	[tilespmem:$0x1E000] =	vst v63  }
0xba: {  	_ =	swait.ge @!p1 [sflag:s26], $0x6400  }
0xbb: {  	p2 =	por p4, p4;
	s3 =	sadd.s32 @!p1 s22, s10;
	[sflag:s26] =	ssyncset.done @!p1 $0x0  }
0xbc: {  	s4 =	simm.s32 @!p2 $0x3;
	s3 =	sadd.s32 @!p1 $0x19000, s3;
	[sflag:s26] =	ssyncadd.s32 @!p1 $0xFFFF9C00  }
0xbd: {  	[hbm4b:s3+s1] =	stream.linear.scatter @!p1 [tilespmem:s23], [sflag:$0x5], $0x6400, $0x38;
	[tilespmem:$0x1E000] =	vst v63  }
0xbe: {  	_ =	swait.ge @!p2 [sflag:s4], $0x6400  }
0xbf: {  	s1 =	sadd.s32 @!p4 s22, s10;
	[sflag:s4] =	ssyncset.done @!p2 $0x0  }
0xc0: {  	s3 =	simm.s32 @!p3 $0x4;
	s1 =	sadd.s32 @!p4 $0x32000, s1;
	[sflag:s4] =	ssyncadd.s32 @!p2 $0xFFFF9C00  }
0xc1: {  	[hbm4b:s1+s0] =	stream.linear.scatter @!p2 [tilespmem:s24], [sflag:$0x6], $0x6400, $0x38;
	[tilespmem:$0x1E000] =	vst v63  }
0xc2: {  	_ =	swait.ge @!p3 [sflag:s3], $0x6400  }
0xc3: {  	[sflag:s3] =	ssyncset.done @!p3 $0x0  }
0xc4: {  	s0 =	simm.s32 @!p1 $0x5;
	[sflag:s3] =	ssyncadd.s32 @!p3 $0xFFFF9C00  }
0xc5: {  	_ =	swait.ge @!p1 [sflag:s0], $0x6400  }
0xc6: {  	[sflag:s0] =	ssyncset.done @!p1 $0x0  }
0xc7: {  	s1 =	simm.s32 @!p4 $0x6;
	[sflag:s0] =	ssyncadd.s32 @!p1 $0xFFFF9C00  }
0xc8: {  	_ =	swait.ge @!p2 [sflag:s1], $0x6400  }
0xc9: {  	s21 =	sadd.s32 $0x1, s21;
	s31 =	rddreg [dreg:$0x3]  }
0xca: {  	p1 =	sne.s32 s21, s31  }
.Ltmp2:
0xcb: {  	_ = 	snop;
	(pc) =	sbr.rel @p1 .LBB2_1-.Ltmp2, $3  }
0xcc: {  	_ =	sdelay $0x1  }
0xcd: {  	[sflag:s1] =	ssyncset.done @!p2 $0x0  }
0xce: {  	[sflag:s1] =	ssyncadd.s32 @!p2 $0xFFFF9C00  }
0xcf: {  	_ =	sfence.sel $0x180000  }
0xd0: {  	[bflag:$0x0] =	sbarrier.arrive $0xFFFF  }
0xd1: {  	_ =	strace $0x90000047  }
0xd2: {  	s0 =	stileid.u32;
	[bflag:$0x2] =	sbarrier.arrive $0xFFFF  }
0xd3: {  	p0 =	sne.s32 s0, $0x0;
	s0 =	rddreg [dreg:$0x2]  }
0xd4: {  	s0 =	sadd.s32 @!p0 $0x100000, s0  }
0xd5: {  	[sflag:s0] =	ssyncadd.tile.s32 @!p0 $0x1;
	_ =	shalt  }
.Lfunc_end2:
_tile_overlayer_lowered:
.L_overlay_start_2:
0xd6: {  	(tag) =	ssettag $0x2  }
0xd7: {  	s0 =	rddreg [dreg:$0x0];
	s2 =	stileid.u32  }
0xd8: {  	s1 =	rddreg [dreg:$0x1];
	p0 =	sne.s32 s2, $0x0  }
0xd9: {  	s3 =	rddreg [dreg:$0x2];
	[bflag:$0x3] =	sbarrier.arrive $0xFFFF;
	s2 =	simm.s32 @!p0 $0x1C07  }
0xda: {  	[timem:s3], [sflag:s2] =	dma.local @!p0 [hbm:s0], s1  }
0xdb: {  	s0 =	simm.s32 @!p0 $0x7  }
0xdc: {  	_ =	swait.ge @!p0 [sflag:s0], s1  }
0xdd: {  	s1 =	ssub.s32 @!p0 $0x0, s1;
	[sflag:s0] =	ssyncset.done @!p0 $0x0  }
0xde: {  	[sflag:s0] =	ssyncadd.s32 @!p0 s1  }
0xdf: {  	[bflag:$0x3] =	sbarrier.arrive $0xFFFF  }
0xe0: {  	_ =	shalt  }

</sc_bundles>
